<compile_context>
chip_gen: v7x
topology: tpu7x:2x2x1
jax: 0.10.2.dev20260603
libtpu: 0.0.44.dev20260713+nightly
codegen_flags: <defaults>
</compile_context>

<pallas_src>
import functools

import jax
import jax.numpy as jnp
from jax import lax
from jax.experimental import pallas as pl
from jax.experimental.pallas import tpu as pltpu
from jax.experimental.pallas import tpu_sc as plsc

N = 65536
D = 64
K = 8192
BN = 1024
NSPLIT = 1
NH = N // NSPLIT

NC = 2
NS = 16
NW = NC * NS
CHUNK = 128
DPAD = 128


def _argmin_body(z_ref, cb_ref, c2_ref, idx_ref, idxf_ref, part_ref):
    z = z_ref[...]
    cb = cb_ref[...]
    dot2 = lax.dot_general(z, cb, (((1,), (1,)), ((), ())),
                           preferred_element_type=jnp.float32)
    z2 = jnp.sum(z * z, axis=1, keepdims=True) * 0.25
    t = z2.reshape(BN // 8, 8, 1) + c2_ref[...][None, :, :]
    d2 = (t - dot2.reshape(BN // 8, 8, K)).reshape(BN, K)
    bm = jnp.min(d2, axis=1, keepdims=True)
    loc = jnp.argmin(d2, axis=1)[:, None]
    idx_ref[...] = loc
    idxf_ref[...] = loc.astype(jnp.float32)
    part_ref[...] = jnp.broadcast_to(jnp.sum(jnp.maximum(bm, 0.0)),
                                     (1, 1, 128))


_distance_argmin = pl.pallas_call(
    _argmin_body,
    grid=(NH // BN,),
    in_specs=[
        pl.BlockSpec((BN, D), lambda i: (i, 0)),
        pl.BlockSpec((K, D), lambda i: (0, 0)),
        pl.BlockSpec((8, K), lambda i: (0, 0)),
    ],
    out_specs=[
        pl.BlockSpec((BN, 1), lambda i: (i, 0)),
        pl.BlockSpec((BN, 1), lambda i: (i, 0)),
        pl.BlockSpec((1, 1, 128), lambda i: (i, 0, 0)),
    ],
    out_shape=[
        jax.ShapeDtypeStruct((NH, 1), jnp.int32),
        jax.ShapeDtypeStruct((NH, 1), jnp.float32),
        jax.ShapeDtypeStruct((NH // BN, 1, 128), jnp.float32),
    ],
)


@functools.cache
def _make_sc_gather(rows):
    chunks_per_w = rows // (NW * CHUNK)
    rows_per_w = chunks_per_w * CHUNK

    @functools.partial(
        pl.kernel,
        out_type=jax.ShapeDtypeStruct((rows, DPAD), jnp.float32),
        mesh=plsc.VectorSubcoreMesh(core_axis_name="c", subcore_axis_name="s"),
        scratch_types=[
            pltpu.VMEM((chunks_per_w, CHUNK), jnp.int32),
            pltpu.VMEM((CHUNK, DPAD), jnp.float32),
            pltpu.VMEM((CHUNK, DPAD), jnp.float32),
            pltpu.SemaphoreType.DMA,
            pltpu.SemaphoreType.DMA,
        ],
    )
    def _sc_gather(idx_hbm, table_hbm, out_hbm, idx_v, rows0, rows1,
                   gsem, ssem):
        wid = lax.axis_index("s") * NC + lax.axis_index("c")
        pltpu.sync_copy(
            idx_hbm.at[pl.ds(wid * chunks_per_w, chunks_per_w)], idx_v)
        base = wid * rows_per_w
        bufs = (rows0, rows1)
        store_cp = None
        for c in range(chunks_per_w):
            buf = bufs[c % 2]
            pltpu.async_copy(table_hbm.at[idx_v.at[c]], buf, gsem).wait()
            if store_cp is not None:
                store_cp.wait()
            store_cp = pltpu.async_copy(
                buf, out_hbm.at[pl.ds(base + c * CHUNK, CHUNK)], ssem)
        store_cp.wait()

    return _sc_gather


def kernel(z_feats, codebook):
    zz = z_feats + z_feats
    c2 = jnp.sum(codebook * codebook, axis=1)
    c2b = jnp.broadcast_to(c2[None, :], (8, K))
    cb_pad = jnp.pad(codebook, ((0, 0), (0, DPAD - D)))
    gather = _make_sc_gather(NH)
    qs, idxfs, loss_sum = [], [], jnp.float32(0.0)
    for h in range(NSPLIT):
        zh = lax.slice_in_dim(zz, h * NH, (h + 1) * NH, axis=0)
        idx_i32, idx_f, parts = _distance_argmin(zh, codebook, c2b)
        loss_sum = loss_sum + jnp.sum(parts[:, 0, 0])
        idx2d = idx_i32.reshape(NH // CHUNK, CHUNK)
        qs.append(gather(idx2d, cb_pad)[:, :D])
        idxfs.append(idx_f)
    loss = loss_sum / jnp.float32(N * D)
    quantized = jnp.concatenate(qs, axis=0) if NSPLIT > 1 else qs[0]
    idx_f_all = jnp.concatenate(idxfs, axis=0) if NSPLIT > 1 else idxfs[0]
    return quantized, loss, loss, idx_f_all

# --- scband reference (transcript-rebuilt; emitter-appended) ---
"""Pipeline reference for scband-sparse-vector-quantizer-75539884802812 (READ-ONLY COPY).

The authoritative reference and input builder live on the scoring server;
editing this copy changes nothing except your own understanding.
"""

import jax, jax.numpy as jnp
import numpy as np

NUM_EMBEDDINGS = 8192
EMBEDDING_DIM = 64
N_VOXELS = 65536
BETA = 0.25


def setup_inputs(seed: int = 0) -> dict:
    key = jax.random.key(seed)
    k1, k2 = jax.random.split(key)
    z_feats = jax.random.normal(k1, (N_VOXELS, EMBEDDING_DIM), dtype=jnp.float32)
    codebook = jax.random.normal(k2, (NUM_EMBEDDINGS, EMBEDDING_DIM), dtype=jnp.float32)
    return {"z_feats": z_feats, "codebook": codebook}


def reference(z_feats, codebook):
    # torch.cdist(z, codebook): pairwise Euclidean distances [N, K]
    z2 = jnp.sum(z_feats * z_feats, axis=1, keepdims=True)          # [N, 1]
    c2 = jnp.sum(codebook * codebook, axis=1)                        # [K]
    d2 = z2 + c2[None, :] - 2.0 * (z_feats @ codebook.T)            # [N, K]
    distances = jnp.sqrt(jnp.maximum(d2, 0.0))
    encoding_indices = jnp.argmin(distances, axis=1)                 # [N]
    quantized_feats = jnp.take(codebook, encoding_indices, axis=0)   # [N, D] embedding lookup
    commitment_loss = jnp.mean((z_feats - jax.lax.stop_gradient(quantized_feats)) ** 2)
    vq_loss = jnp.mean((quantized_feats - jax.lax.stop_gradient(z_feats)) ** 2)
    # straight-through estimator
    quantized_st = z_feats + jax.lax.stop_gradient(quantized_feats - z_feats)
    encoding_indices_f = encoding_indices.astype(jnp.float32)[:, None]  # z.replace(indices.unsqueeze(-1).float())
    return quantized_st, vq_loss, commitment_loss, encoding_indices_f

if __name__ == "__main__":
    import jax
    _d = setup_inputs()
    print(jax.jit(kernel)(*tuple(_d.values())))

</pallas_src>

<mosaic_0001>
#map = affine_map<(d0, d1) -> (0, 0)>
module attributes {stable_mosaic.version = 14 : i64} {
  func.func @_sc_gather(%arg0: i32, %arg1: i32, %arg2: memref<512x128xi32, #tpu.memory_space<hbm>>, %arg3: memref<8192x128xf32, #tpu.memory_space<hbm>>, %arg4: memref<65536x128xf32, #tpu.memory_space<hbm>>, %arg5: memref<16x128xi32, #tpu.memory_space<vmem>>, %arg6: memref<128x128xf32, #tpu.memory_space<vmem>>, %arg7: memref<128x128xf32, #tpu.memory_space<vmem>>, %arg8: memref<!tpu.dma_semaphore, #tpu.memory_space<semaphore_mem>>, %arg9: memref<!tpu.dma_semaphore, #tpu.memory_space<semaphore_mem>>) attributes {dimension_semantics = [#tpu.dimension_semantics<core_parallel>, #tpu.dimension_semantics<subcore_parallel>], iteration_bounds = array<i64: 2, 16>, scalar_prefetch = 0 : i64, scratch_operands = 5 : i64, tpu.core_type = #tpu.core_type<sc_vector_subcore>, window_params = [{transform_indices = #map}, {transform_indices = #map}, {transform_indices = #map}]} {
    %mul3A = arith.constant 2 : i32
    %mul3A_0 = arith.muli %arg1, %mul3A : i32
    %add3A = arith.addi %mul3A_0, %arg0 : i32
    %mul3A_1 = arith.constant 16 : i32
    %mul3A_2 = arith.muli %add3A, %mul3A_1 : i32
    "tpu.region"() ({
      %run_scoped3A = tpu.sem_alloc : memref<!tpu.dma_semaphore, #tpu.memory_space<semaphore_mem>>
      %dma_start3A_387 = arith.constant 0 : i32
      %dma_start3A_388 = tpu.memref_slice %arg2[%mul3A_2, %dma_start3A_387] : memref<512x128xi32, #tpu.memory_space<hbm>> -> memref<16x128xi32, #tpu.memory_space<hbm>>
      %dma_start3A_389 = arith.constant 0 : i32
      %dma_start3A_390 = tpu.memref_slice %arg2[%mul3A_2, %dma_start3A_389] : memref<512x128xi32, #tpu.memory_space<hbm>> -> memref<16x128xi32, #tpu.memory_space<hbm>>
      tpu.enqueue_dma source(%dma_start3A_390 : memref<16x128xi32, #tpu.memory_space<hbm>>) target(%arg5 : memref<16x128xi32, #tpu.memory_space<vmem>>) target_semaphore(%run_scoped3A : memref<!tpu.dma_semaphore, #tpu.memory_space<semaphore_mem>>)
      %dma_wait3A_391 = arith.constant 0 : i32
      %dma_wait3A_392 = tpu.memref_slice %arg2[%mul3A_2, %dma_wait3A_391] : memref<512x128xi32, #tpu.memory_space<hbm>> -> memref<16x128xi32, #tpu.memory_space<hbm>>
      %dma_wait3A_393 = arith.constant 0 : i32
      %dma_wait3A_394 = tpu.memref_slice %arg2[%mul3A_2, %dma_wait3A_393] : memref<512x128xi32, #tpu.memory_space<hbm>> -> memref<16x128xi32, #tpu.memory_space<hbm>>
      tpu.wait_dma2 semaphore(%run_scoped3A : memref<!tpu.dma_semaphore, #tpu.memory_space<semaphore_mem>>) src(%dma_wait3A_394 : memref<16x128xi32, #tpu.memory_space<hbm>>) dst(%arg5 : memref<16x128xi32, #tpu.memory_space<vmem>>)
      tpu.yield
    }) : () -> ()
    %mul3A_3 = arith.constant 2048 : i32
    %mul3A_4 = arith.muli %add3A, %mul3A_3 : i32
    %dma_start3A = arith.constant 0 : i32
    %dma_start3A_5 = arith.constant 0 : i32
    %dma_start3A_6 = tpu.memref_slice %arg5[%dma_start3A, %dma_start3A_5] : memref<16x128xi32, #tpu.memory_space<vmem>> -> memref<1x128xi32, #tpu.memory_space<vmem>>
    %dma_start3A_7 = tpu.memref_squeeze %dma_start3A_6 : memref<1x128xi32, #tpu.memory_space<vmem>> -> memref<128xi32, #tpu.memory_space<vmem>>
    %dma_start3A_8 = arith.constant 0 : i32
    %dma_start3A_9 = arith.constant 0 : i32
    %dma_start3A_10 = tpu.memref_slice %arg3[%dma_start3A_8, %dma_start3A_9] : memref<8192x128xf32, #tpu.memory_space<hbm>> -> memref<8192x128xf32, #tpu.memory_space<hbm>>
    tpu.enqueue_indirect_dma source(%dma_start3A_10 : memref<8192x128xf32, #tpu.memory_space<hbm>>) target(%arg6 : memref<128x128xf32, #tpu.memory_space<vmem>>) offsets(%dma_start3A_7 : memref<128xi32, #tpu.memory_space<vmem>>) semaphore(%arg8 : memref<!tpu.dma_semaphore, #tpu.memory_space<semaphore_mem>>)
    %dma_wait3A = arith.constant 0 : i32
    %dma_wait3A_11 = arith.constant 0 : i32
    %dma_wait3A_12 = tpu.memref_slice %arg5[%dma_wait3A, %dma_wait3A_11] : memref<16x128xi32, #tpu.memory_space<vmem>> -> memref<1x128xi32, #tpu.memory_space<vmem>>
    %dma_wait3A_13 = tpu.memref_squeeze %dma_wait3A_12 : memref<1x128xi32, #tpu.memory_space<vmem>> -> memref<128xi32, #tpu.memory_space<vmem>>
    %dma_wait3A_14 = arith.constant 0 : i32
    %dma_wait3A_15 = arith.constant 0 : i32
    %dma_wait3A_16 = tpu.memref_slice %arg3[%dma_wait3A_14, %dma_wait3A_15] : memref<8192x128xf32, #tpu.memory_space<hbm>> -> memref<8192x128xf32, #tpu.memory_space<hbm>>
    tpu.wait_indirect_dma semaphore(%arg8 : memref<!tpu.dma_semaphore, #tpu.memory_space<semaphore_mem>>) src(%dma_wait3A_16 : memref<8192x128xf32, #tpu.memory_space<hbm>>) dst(%arg6 : memref<128x128xf32, #tpu.memory_space<vmem>>)
    %add3A_17 = arith.constant 0 : i32
    %add3A_18 = arith.addi %mul3A_4, %add3A_17 : i32
    %dma_start3A_19 = arith.constant 0 : i32
    %dma_start3A_20 = tpu.memref_slice %arg4[%add3A_18, %dma_start3A_19] : memref<65536x128xf32, #tpu.memory_space<hbm>> -> memref<128x128xf32, #tpu.memory_space<hbm>>
    %dma_start3A_21 = arith.constant 0 : i32
    %dma_start3A_22 = tpu.memref_slice %arg4[%add3A_18, %dma_start3A_21] : memref<65536x128xf32, #tpu.memory_space<hbm>> -> memref<128x128xf32, #tpu.memory_space<hbm>>
    tpu.enqueue_dma source(%arg6 : memref<128x128xf32, #tpu.memory_space<vmem>>) target(%dma_start3A_22 : memref<128x128xf32, #tpu.memory_space<hbm>>) target_semaphore(%arg9 : memref<!tpu.dma_semaphore, #tpu.memory_space<semaphore_mem>>)
    %dma_start3A_23 = arith.constant 1 : i32
    %dma_start3A_24 = arith.constant 0 : i32
    %dma_start3A_25 = tpu.memref_slice %arg5[%dma_start3A_23, %dma_start3A_24] : memref<16x128xi32, #tpu.memory_space<vmem>> -> memref<1x128xi32, #tpu.memory_space<vmem>>
    %dma_start3A_26 = tpu.memref_squeeze %dma_start3A_25 : memref<1x128xi32, #tpu.memory_space<vmem>> -> memref<128xi32, #tpu.memory_space<vmem>>
    %dma_start3A_27 = arith.constant 0 : i32
    %dma_start3A_28 = arith.constant 0 : i32
    %dma_start3A_29 = tpu.memref_slice %arg3[%dma_start3A_27, %dma_start3A_28] : memref<8192x128xf32, #tpu.memory_space<hbm>> -> memref<8192x128xf32, #tpu.memory_space<hbm>>
    tpu.enqueue_indirect_dma source(%dma_start3A_29 : memref<8192x128xf32, #tpu.memory_space<hbm>>) target(%arg7 : memref<128x128xf32, #tpu.memory_space<vmem>>) offsets(%dma_start3A_26 : memref<128xi32, #tpu.memory_space<vmem>>) semaphore(%arg8 : memref<!tpu.dma_semaphore, #tpu.memory_space<semaphore_mem>>)
    %dma_wait3A_30 = arith.constant 1 : i32
    %dma_wait3A_31 = arith.constant 0 : i32
    %dma_wait3A_32 = tpu.memref_slice %arg5[%dma_wait3A_30, %dma_wait3A_31] : memref<16x128xi32, #tpu.memory_space<vmem>> -> memref<1x128xi32, #tpu.memory_space<vmem>>
    %dma_wait3A_33 = tpu.memref_squeeze %dma_wait3A_32 : memref<1x128xi32, #tpu.memory_space<vmem>> -> memref<128xi32, #tpu.memory_space<vmem>>
    %dma_wait3A_34 = arith.constant 0 : i32
    %dma_wait3A_35 = arith.constant 0 : i32
    %dma_wait3A_36 = tpu.memref_slice %arg3[%dma_wait3A_34, %dma_wait3A_35] : memref<8192x128xf32, #tpu.memory_space<hbm>> -> memref<8192x128xf32, #tpu.memory_space<hbm>>
    tpu.wait_indirect_dma semaphore(%arg8 : memref<!tpu.dma_semaphore, #tpu.memory_space<semaphore_mem>>) src(%dma_wait3A_36 : memref<8192x128xf32, #tpu.memory_space<hbm>>) dst(%arg7 : memref<128x128xf32, #tpu.memory_space<vmem>>)
    %dma_wait3A_37 = arith.constant 0 : i32
    %dma_wait3A_38 = tpu.memref_slice %arg4[%add3A_18, %dma_wait3A_37] : memref<65536x128xf32, #tpu.memory_space<hbm>> -> memref<128x128xf32, #tpu.memory_space<hbm>>
    %dma_wait3A_39 = arith.constant 0 : i32
    %dma_wait3A_40 = tpu.memref_slice %arg4[%add3A_18, %dma_wait3A_39] : memref<65536x128xf32, #tpu.memory_space<hbm>> -> memref<128x128xf32, #tpu.memory_space<hbm>>
    tpu.wait_dma2 semaphore(%arg9 : memref<!tpu.dma_semaphore, #tpu.memory_space<semaphore_mem>>) src(%arg6 : memref<128x128xf32, #tpu.memory_space<vmem>>) dst(%dma_wait3A_40 : memref<128x128xf32, #tpu.memory_space<hbm>>)
    %add3A_41 = arith.constant 128 : i32
    %add3A_42 = arith.addi %mul3A_4, %add3A_41 : i32
    %dma_start3A_43 = arith.constant 0 : i32
    %dma_start3A_44 = tpu.memref_slice %arg4[%add3A_42, %dma_start3A_43] : memref<65536x128xf32, #tpu.memory_space<hbm>> -> memref<128x128xf32, #tpu.memory_space<hbm>>
    %dma_start3A_45 = arith.constant 0 : i32
    %dma_start3A_46 = tpu.memref_slice %arg4[%add3A_42, %dma_start3A_45] : memref<65536x128xf32, #tpu.memory_space<hbm>> -> memref<128x128xf32, #tpu.memory_space<hbm>>
    tpu.enqueue_dma source(%arg7 : memref<128x128xf32, #tpu.memory_space<vmem>>) target(%dma_start3A_46 : memref<128x128xf32, #tpu.memory_space<hbm>>) target_semaphore(%arg9 : memref<!tpu.dma_semaphore, #tpu.memory_space<semaphore_mem>>)
    %dma_start3A_47 = arith.constant 2 : i32
    %dma_start3A_48 = arith.constant 0 : i32
    %dma_start3A_49 = tpu.memref_slice %arg5[%dma_start3A_47, %dma_start3A_48] : memref<16x128xi32, #tpu.memory_space<vmem>> -> memref<1x128xi32, #tpu.memory_space<vmem>>
    %dma_start3A_50 = tpu.memref_squeeze %dma_start3A_49 : memref<1x128xi32, #tpu.memory_space<vmem>> -> memref<128xi32, #tpu.memory_space<vmem>>
    %dma_start3A_51 = arith.constant 0 : i32
    %dma_start3A_52 = arith.constant 0 : i32
    %dma_start3A_53 = tpu.memref_slice %arg3[%dma_start3A_51, %dma_start3A_52] : memref<8192x128xf32, #tpu.memory_space<hbm>> -> memref<8192x128xf32, #tpu.memory_space<hbm>>
    tpu.enqueue_indirect_dma source(%dma_start3A_53 : memref<8192x128xf32, #tpu.memory_space<hbm>>) target(%arg6 : memref<128x128xf32, #tpu.memory_space<vmem>>) offsets(%dma_start3A_50 : memref<128xi32, #tpu.memory_space<vmem>>) semaphore(%arg8 : memref<!tpu.dma_semaphore, #tpu.memory_space<semaphore_mem>>)
    %dma_wait3A_54 = arith.constant 2 : i32
    %dma_wait3A_55 = arith.constant 0 : i32
    %dma_wait3A_56 = tpu.memref_slice %arg5[%dma_wait3A_54, %dma_wait3A_55] : memref<16x128xi32, #tpu.memory_space<vmem>> -> memref<1x128xi32, #tpu.memory_space<vmem>>
    %dma_wait3A_57 = tpu.memref_squeeze %dma_wait3A_56 : memref<1x128xi32, #tpu.memory_space<vmem>> -> memref<128xi32, #tpu.memory_space<vmem>>
    %dma_wait3A_58 = arith.constant 0 : i32
    %dma_wait3A_59 = arith.constant 0 : i32
    %dma_wait3A_60 = tpu.memref_slice %arg3[%dma_wait3A_58, %dma_wait3A_59] : memref<8192x128xf32, #tpu.memory_space<hbm>> -> memref<8192x128xf32, #tpu.memory_space<hbm>>
    tpu.wait_indirect_dma semaphore(%arg8 : memref<!tpu.dma_semaphore, #tpu.memory_space<semaphore_mem>>) src(%dma_wait3A_60 : memref<8192x128xf32, #tpu.memory_space<hbm>>) dst(%arg6 : memref<128x128xf32, #tpu.memory_space<vmem>>)
    %dma_wait3A_61 = arith.constant 0 : i32
    %dma_wait3A_62 = tpu.memref_slice %arg4[%add3A_42, %dma_wait3A_61] : memref<65536x128xf32, #tpu.memory_space<hbm>> -> memref<128x128xf32, #tpu.memory_space<hbm>>
    %dma_wait3A_63 = arith.constant 0 : i32
    %dma_wait3A_64 = tpu.memref_slice %arg4[%add3A_42, %dma_wait3A_63] : memref<65536x128xf32, #tpu.memory_space<hbm>> -> memref<128x128xf32, #tpu.memory_space<hbm>>
    tpu.wait_dma2 semaphore(%arg9 : memref<!tpu.dma_semaphore, #tpu.memory_space<semaphore_mem>>) src(%arg7 : memref<128x128xf32, #tpu.memory_space<vmem>>) dst(%dma_wait3A_64 : memref<128x128xf32, #tpu.memory_space<hbm>>)
    %add3A_65 = arith.constant 256 : i32
    %add3A_66 = arith.addi %mul3A_4, %add3A_65 : i32
    %dma_start3A_67 = arith.constant 0 : i32
    %dma_start3A_68 = tpu.memref_slice %arg4[%add3A_66, %dma_start3A_67] : memref<65536x128xf32, #tpu.memory_space<hbm>> -> memref<128x128xf32, #tpu.memory_space<hbm>>
    %dma_start3A_69 = arith.constant 0 : i32
    %dma_start3A_70 = tpu.memref_slice %arg4[%add3A_66, %dma_start3A_69] : memref<65536x128xf32, #tpu.memory_space<hbm>> -> memref<128x128xf32, #tpu.memory_space<hbm>>
    tpu.enqueue_dma source(%arg6 : memref<128x128xf32, #tpu.memory_space<vmem>>) target(%dma_start3A_70 : memref<128x128xf32, #tpu.memory_space<hbm>>) target_semaphore(%arg9 : memref<!tpu.dma_semaphore, #tpu.memory_space<semaphore_mem>>)
    %dma_start3A_71 = arith.constant 3 : i32
    %dma_start3A_72 = arith.constant 0 : i32
    %dma_start3A_73 = tpu.memref_slice %arg5[%dma_start3A_71, %dma_start3A_72] : memref<16x128xi32, #tpu.memory_space<vmem>> -> memref<1x128xi32, #tpu.memory_space<vmem>>
    %dma_start3A_74 = tpu.memref_squeeze %dma_start3A_73 : memref<1x128xi32, #tpu.memory_space<vmem>> -> memref<128xi32, #tpu.memory_space<vmem>>
    %dma_start3A_75 = arith.constant 0 : i32
    %dma_start3A_76 = arith.constant 0 : i32
    %dma_start3A_77 = tpu.memref_slice %arg3[%dma_start3A_75, %dma_start3A_76] : memref<8192x128xf32, #tpu.memory_space<hbm>> -> memref<8192x128xf32, #tpu.memory_space<hbm>>
    tpu.enqueue_indirect_dma source(%dma_start3A_77 : memref<8192x128xf32, #tpu.memory_space<hbm>>) target(%arg7 : memref<128x128xf32, #tpu.memory_space<vmem>>) offsets(%dma_start3A_74 : memref<128xi32, #tpu.memory_space<vmem>>) semaphore(%arg8 : memref<!tpu.dma_semaphore, #tpu.memory_space<semaphore_mem>>)
    %dma_wait3A_78 = arith.constant 3 : i32
    %dma_wait3A_79 = arith.constant 0 : i32
    %dma_wait3A_80 = tpu.memref_slice %arg5[%dma_wait3A_78, %dma_wait3A_79] : memref<16x128xi32, #tpu.memory_space<vmem>> -> memref<1x128xi32, #tpu.memory_space<vmem>>
    %dma_wait3A_81 = tpu.memref_squeeze %dma_wait3A_80 : memref<1x128xi32, #tpu.memory_space<vmem>> -> memref<128xi32, #tpu.memory_space<vmem>>
    %dma_wait3A_82 = arith.constant 0 : i32
    %dma_wait3A_83 = arith.constant 0 : i32
    %dma_wait3A_84 = tpu.memref_slice %arg3[%dma_wait3A_82, %dma_wait3A_83] : memref<8192x128xf32, #tpu.memory_space<hbm>> -> memref<8192x128xf32, #tpu.memory_space<hbm>>
    tpu.wait_indirect_dma semaphore(%arg8 : memref<!tpu.dma_semaphore, #tpu.memory_space<semaphore_mem>>) src(%dma_wait3A_84 : memref<8192x128xf32, #tpu.memory_space<hbm>>) dst(%arg7 : memref<128x128xf32, #tpu.memory_space<vmem>>)
    %dma_wait3A_85 = arith.constant 0 : i32
    %dma_wait3A_86 = tpu.memref_slice %arg4[%add3A_66, %dma_wait3A_85] : memref<65536x128xf32, #tpu.memory_space<hbm>> -> memref<128x128xf32, #tpu.memory_space<hbm>>
    %dma_wait3A_87 = arith.constant 0 : i32
    %dma_wait3A_88 = tpu.memref_slice %arg4[%add3A_66, %dma_wait3A_87] : memref<65536x128xf32, #tpu.memory_space<hbm>> -> memref<128x128xf32, #tpu.memory_space<hbm>>
    tpu.wait_dma2 semaphore(%arg9 : memref<!tpu.dma_semaphore, #tpu.memory_space<semaphore_mem>>) src(%arg6 : memref<128x128xf32, #tpu.memory_space<vmem>>) dst(%dma_wait3A_88 : memref<128x128xf32, #tpu.memory_space<hbm>>)
    %add3A_89 = arith.constant 384 : i32
    %add3A_90 = arith.addi %mul3A_4, %add3A_89 : i32
    %dma_start3A_91 = arith.constant 0 : i32
    %dma_start3A_92 = tpu.memref_slice %arg4[%add3A_90, %dma_start3A_91] : memref<65536x128xf32, #tpu.memory_space<hbm>> -> memref<128x128xf32, #tpu.memory_space<hbm>>
    %dma_start3A_93 = arith.constant 0 : i32
    %dma_start3A_94 = tpu.memref_slice %arg4[%add3A_90, %dma_start3A_93] : memref<65536x128xf32, #tpu.memory_space<hbm>> -> memref<128x128xf32, #tpu.memory_space<hbm>>
    tpu.enqueue_dma source(%arg7 : memref<128x128xf32, #tpu.memory_space<vmem>>) target(%dma_start3A_94 : memref<128x128xf32, #tpu.memory_space<hbm>>) target_semaphore(%arg9 : memref<!tpu.dma_semaphore, #tpu.memory_space<semaphore_mem>>)
    %dma_start3A_95 = arith.constant 4 : i32
    %dma_start3A_96 = arith.constant 0 : i32
    %dma_start3A_97 = tpu.memref_slice %arg5[%dma_start3A_95, %dma_start3A_96] : memref<16x128xi32, #tpu.memory_space<vmem>> -> memref<1x128xi32, #tpu.memory_space<vmem>>
    %dma_start3A_98 = tpu.memref_squeeze %dma_start3A_97 : memref<1x128xi32, #tpu.memory_space<vmem>> -> memref<128xi32, #tpu.memory_space<vmem>>
    %dma_start3A_99 = arith.constant 0 : i32
    %dma_start3A_100 = arith.constant 0 : i32
    %dma_start3A_101 = tpu.memref_slice %arg3[%dma_start3A_99, %dma_start3A_100] : memref<8192x128xf32, #tpu.memory_space<hbm>> -> memref<8192x128xf32, #tpu.memory_space<hbm>>
    tpu.enqueue_indirect_dma source(%dma_start3A_101 : memref<8192x128xf32, #tpu.memory_space<hbm>>) target(%arg6 : memref<128x128xf32, #tpu.memory_space<vmem>>) offsets(%dma_start3A_98 : memref<128xi32, #tpu.memory_space<vmem>>) semaphore(%arg8 : memref<!tpu.dma_semaphore, #tpu.memory_space<semaphore_mem>>)
    %dma_wait3A_102 = arith.constant 4 : i32
    %dma_wait3A_103 = arith.constant 0 : i32
    %dma_wait3A_104 = tpu.memref_slice %arg5[%dma_wait3A_102, %dma_wait3A_103] : memref<16x128xi32, #tpu.memory_space<vmem>> -> memref<1x128xi32, #tpu.memory_space<vmem>>
    %dma_wait3A_105 = tpu.memref_squeeze %dma_wait3A_104 : memref<1x128xi32, #tpu.memory_space<vmem>> -> memref<128xi32, #tpu.memory_space<vmem>>
    %dma_wait3A_106 = arith.constant 0 : i32
    %dma_wait3A_107 = arith.constant 0 : i32
    %dma_wait3A_108 = tpu.memref_slice %arg3[%dma_wait3A_106, %dma_wait3A_107] : memref<8192x128xf32, #tpu.memory_space<hbm>> -> memref<8192x128xf32, #tpu.memory_space<hbm>>
    tpu.wait_indirect_dma semaphore(%arg8 : memref<!tpu.dma_semaphore, #tpu.memory_space<semaphore_mem>>) src(%dma_wait3A_108 : memref<8192x128xf32, #tpu.memory_space<hbm>>) dst(%arg6 : memref<128x128xf32, #tpu.memory_space<vmem>>)
    %dma_wait3A_109 = arith.constant 0 : i32
    %dma_wait3A_110 = tpu.memref_slice %arg4[%add3A_90, %dma_wait3A_109] : memref<65536x128xf32, #tpu.memory_space<hbm>> -> memref<128x128xf32, #tpu.memory_space<hbm>>
    %dma_wait3A_111 = arith.constant 0 : i32
    %dma_wait3A_112 = tpu.memref_slice %arg4[%add3A_90, %dma_wait3A_111] : memref<65536x128xf32, #tpu.memory_space<hbm>> -> memref<128x128xf32, #tpu.memory_space<hbm>>
    tpu.wait_dma2 semaphore(%arg9 : memref<!tpu.dma_semaphore, #tpu.memory_space<semaphore_mem>>) src(%arg7 : memref<128x128xf32, #tpu.memory_space<vmem>>) dst(%dma_wait3A_112 : memref<128x128xf32, #tpu.memory_space<hbm>>)
    %add3A_113 = arith.constant 512 : i32
    %add3A_114 = arith.addi %mul3A_4, %add3A_113 : i32
    %dma_start3A_115 = arith.constant 0 : i32
    %dma_start3A_116 = tpu.memref_slice %arg4[%add3A_114, %dma_start3A_115] : memref<65536x128xf32, #tpu.memory_space<hbm>> -> memref<128x128xf32, #tpu.memory_space<hbm>>
    %dma_start3A_117 = arith.constant 0 : i32
    %dma_start3A_118 = tpu.memref_slice %arg4[%add3A_114, %dma_start3A_117] : memref<65536x128xf32, #tpu.memory_space<hbm>> -> memref<128x128xf32, #tpu.memory_space<hbm>>
    tpu.enqueue_dma source(%arg6 : memref<128x128xf32, #tpu.memory_space<vmem>>) target(%dma_start3A_118 : memref<128x128xf32, #tpu.memory_space<hbm>>) target_semaphore(%arg9 : memref<!tpu.dma_semaphore, #tpu.memory_space<semaphore_mem>>)
    %dma_start3A_119 = arith.constant 5 : i32
    %dma_start3A_120 = arith.constant 0 : i32
    %dma_start3A_121 = tpu.memref_slice %arg5[%dma_start3A_119, %dma_start3A_120] : memref<16x128xi32, #tpu.memory_space<vmem>> -> memref<1x128xi32, #tpu.memory_space<vmem>>
    %dma_start3A_122 = tpu.memref_squeeze %dma_start3A_121 : memref<1x128xi32, #tpu.memory_space<vmem>> -> memref<128xi32, #tpu.memory_space<vmem>>
    %dma_start3A_123 = arith.constant 0 : i32
    %dma_start3A_124 = arith.constant 0 : i32
    %dma_start3A_125 = tpu.memref_slice %arg3[%dma_start3A_123, %dma_start3A_124] : memref<8192x128xf32, #tpu.memory_space<hbm>> -> memref<8192x128xf32, #tpu.memory_space<hbm>>
    tpu.enqueue_indirect_dma source(%dma_start3A_125 : memref<8192x128xf32, #tpu.memory_space<hbm>>) target(%arg7 : memref<128x128xf32, #tpu.memory_space<vmem>>) offsets(%dma_start3A_122 : memref<128xi32, #tpu.memory_space<vmem>>) semaphore(%arg8 : memref<!tpu.dma_semaphore, #tpu.memory_space<semaphore_mem>>)
    %dma_wait3A_126 = arith.constant 5 : i32
    %dma_wait3A_127 = arith.constant 0 : i32
    %dma_wait3A_128 = tpu.memref_slice %arg5[%dma_wait3A_126, %dma_wait3A_127] : memref<16x128xi32, #tpu.memory_space<vmem>> -> memref<1x128xi32, #tpu.memory_space<vmem>>
    %dma_wait3A_129 = tpu.memref_squeeze %dma_wait3A_128 : memref<1x128xi32, #tpu.memory_space<vmem>> -> memref<128xi32, #tpu.memory_space<vmem>>
    %dma_wait3A_130 = arith.constant 0 : i32
    %dma_wait3A_131 = arith.constant 0 : i32
    %dma_wait3A_132 = tpu.memref_slice %arg3[%dma_wait3A_130, %dma_wait3A_131] : memref<8192x128xf32, #tpu.memory_space<hbm>> -> memref<8192x128xf32, #tpu.memory_space<hbm>>
    tpu.wait_indirect_dma semaphore(%arg8 : memref<!tpu.dma_semaphore, #tpu.memory_space<semaphore_mem>>) src(%dma_wait3A_132 : memref<8192x128xf32, #tpu.memory_space<hbm>>) dst(%arg7 : memref<128x128xf32, #tpu.memory_space<vmem>>)
    %dma_wait3A_133 = arith.constant 0 : i32
    %dma_wait3A_134 = tpu.memref_slice %arg4[%add3A_114, %dma_wait3A_133] : memref<65536x128xf32, #tpu.memory_space<hbm>> -> memref<128x128xf32, #tpu.memory_space<hbm>>
    %dma_wait3A_135 = arith.constant 0 : i32
    %dma_wait3A_136 = tpu.memref_slice %arg4[%add3A_114, %dma_wait3A_135] : memref<65536x128xf32, #tpu.memory_space<hbm>> -> memref<128x128xf32, #tpu.memory_space<hbm>>
    tpu.wait_dma2 semaphore(%arg9 : memref<!tpu.dma_semaphore, #tpu.memory_space<semaphore_mem>>) src(%arg6 : memref<128x128xf32, #tpu.memory_space<vmem>>) dst(%dma_wait3A_136 : memref<128x128xf32, #tpu.memory_space<hbm>>)
    %add3A_137 = arith.constant 640 : i32
    %add3A_138 = arith.addi %mul3A_4, %add3A_137 : i32
    %dma_start3A_139 = arith.constant 0 : i32
    %dma_start3A_140 = tpu.memref_slice %arg4[%add3A_138, %dma_start3A_139] : memref<65536x128xf32, #tpu.memory_space<hbm>> -> memref<128x128xf32, #tpu.memory_space<hbm>>
    %dma_start3A_141 = arith.constant 0 : i32
    %dma_start3A_142 = tpu.memref_slice %arg4[%add3A_138, %dma_start3A_141] : memref<65536x128xf32, #tpu.memory_space<hbm>> -> memref<128x128xf32, #tpu.memory_space<hbm>>
    tpu.enqueue_dma source(%arg7 : memref<128x128xf32, #tpu.memory_space<vmem>>) target(%dma_start3A_142 : memref<128x128xf32, #tpu.memory_space<hbm>>) target_semaphore(%arg9 : memref<!tpu.dma_semaphore, #tpu.memory_space<semaphore_mem>>)
    %dma_start3A_143 = arith.constant 6 : i32
    %dma_start3A_144 = arith.constant 0 : i32
    %dma_start3A_145 = tpu.memref_slice %arg5[%dma_start3A_143, %dma_start3A_144] : memref<16x128xi32, #tpu.memory_space<vmem>> -> memref<1x128xi32, #tpu.memory_space<vmem>>
    %dma_start3A_146 = tpu.memref_squeeze %dma_start3A_145 : memref<1x128xi32, #tpu.memory_space<vmem>> -> memref<128xi32, #tpu.memory_space<vmem>>
    %dma_start3A_147 = arith.constant 0 : i32
    %dma_start3A_148 = arith.constant 0 : i32
    %dma_start3A_149 = tpu.memref_slice %arg3[%dma_start3A_147, %dma_start3A_148] : memref<8192x128xf32, #tpu.memory_space<hbm>> -> memref<8192x128xf32, #tpu.memory_space<hbm>>
    tpu.enqueue_indirect_dma source(%dma_start3A_149 : memref<8192x128xf32, #tpu.memory_space<hbm>>) target(%arg6 : memref<128x128xf32, #tpu.memory_space<vmem>>) offsets(%dma_start3A_146 : memref<128xi32, #tpu.memory_space<vmem>>) semaphore(%arg8 : memref<!tpu.dma_semaphore, #tpu.memory_space<semaphore_mem>>)
    %dma_wait3A_150 = arith.constant 6 : i32
    %dma_wait3A_151 = arith.constant 0 : i32
    %dma_wait3A_152 = tpu.memref_slice %arg5[%dma_wait3A_150, %dma_wait3A_151] : memref<16x128xi32, #tpu.memory_space<vmem>> -> memref<1x128xi32, #tpu.memory_space<vmem>>
    %dma_wait3A_153 = tpu.memref_squeeze %dma_wait3A_152 : memref<1x128xi32, #tpu.memory_space<vmem>> -> memref<128xi32, #tpu.memory_space<vmem>>
    %dma_wait3A_154 = arith.constant 0 : i32
    %dma_wait3A_155 = arith.constant 0 : i32
    %dma_wait3A_156 = tpu.memref_slice %arg3[%dma_wait3A_154, %dma_wait3A_155] : memref<8192x128xf32, #tpu.memory_space<hbm>> -> memref<8192x128xf32, #tpu.memory_space<hbm>>
    tpu.wait_indirect_dma semaphore(%arg8 : memref<!tpu.dma_semaphore, #tpu.memory_space<semaphore_mem>>) src(%dma_wait3A_156 : memref<8192x128xf32, #tpu.memory_space<hbm>>) dst(%arg6 : memref<128x128xf32, #tpu.memory_space<vmem>>)
    %dma_wait3A_157 = arith.constant 0 : i32
    %dma_wait3A_158 = tpu.memref_slice %arg4[%add3A_138, %dma_wait3A_157] : memref<65536x128xf32, #tpu.memory_space<hbm>> -> memref<128x128xf32, #tpu.memory_space<hbm>>
    %dma_wait3A_159 = arith.constant 0 : i32
    %dma_wait3A_160 = tpu.memref_slice %arg4[%add3A_138, %dma_wait3A_159] : memref<65536x128xf32, #tpu.memory_space<hbm>> -> memref<128x128xf32, #tpu.memory_space<hbm>>
    tpu.wait_dma2 semaphore(%arg9 : memref<!tpu.dma_semaphore, #tpu.memory_space<semaphore_mem>>) src(%arg7 : memref<128x128xf32, #tpu.memory_space<vmem>>) dst(%dma_wait3A_160 : memref<128x128xf32, #tpu.memory_space<hbm>>)
    %add3A_161 = arith.constant 768 : i32
    %add3A_162 = arith.addi %mul3A_4, %add3A_161 : i32
    %dma_start3A_163 = arith.constant 0 : i32
    %dma_start3A_164 = tpu.memref_slice %arg4[%add3A_162, %dma_start3A_163] : memref<65536x128xf32, #tpu.memory_space<hbm>> -> memref<128x128xf32, #tpu.memory_space<hbm>>
    %dma_start3A_165 = arith.constant 0 : i32
    %dma_start3A_166 = tpu.memref_slice %arg4[%add3A_162, %dma_start3A_165] : memref<65536x128xf32, #tpu.memory_space<hbm>> -> memref<128x128xf32, #tpu.memory_space<hbm>>
    tpu.enqueue_dma source(%arg6 : memref<128x128xf32, #tpu.memory_space<vmem>>) target(%dma_start3A_166 : memref<128x128xf32, #tpu.memory_space<hbm>>) target_semaphore(%arg9 : memref<!tpu.dma_semaphore, #tpu.memory_space<semaphore_mem>>)
    %dma_start3A_167 = arith.constant 7 : i32
    %dma_start3A_168 = arith.constant 0 : i32
    %dma_start3A_169 = tpu.memref_slice %arg5[%dma_start3A_167, %dma_start3A_168] : memref<16x128xi32, #tpu.memory_space<vmem>> -> memref<1x128xi32, #tpu.memory_space<vmem>>
    %dma_start3A_170 = tpu.memref_squeeze %dma_start3A_169 : memref<1x128xi32, #tpu.memory_space<vmem>> -> memref<128xi32, #tpu.memory_space<vmem>>
    %dma_start3A_171 = arith.constant 0 : i32
    %dma_start3A_172 = arith.constant 0 : i32
    %dma_start3A_173 = tpu.memref_slice %arg3[%dma_start3A_171, %dma_start3A_172] : memref<8192x128xf32, #tpu.memory_space<hbm>> -> memref<8192x128xf32, #tpu.memory_space<hbm>>
    tpu.enqueue_indirect_dma source(%dma_start3A_173 : memref<8192x128xf32, #tpu.memory_space<hbm>>) target(%arg7 : memref<128x128xf32, #tpu.memory_space<vmem>>) offsets(%dma_start3A_170 : memref<128xi32, #tpu.memory_space<vmem>>) semaphore(%arg8 : memref<!tpu.dma_semaphore, #tpu.memory_space<semaphore_mem>>)
    %dma_wait3A_174 = arith.constant 7 : i32
    %dma_wait3A_175 = arith.constant 0 : i32
    %dma_wait3A_176 = tpu.memref_slice %arg5[%dma_wait3A_174, %dma_wait3A_175] : memref<16x128xi32, #tpu.memory_space<vmem>> -> memref<1x128xi32, #tpu.memory_space<vmem>>
    %dma_wait3A_177 = tpu.memref_squeeze %dma_wait3A_176 : memref<1x128xi32, #tpu.memory_space<vmem>> -> memref<128xi32, #tpu.memory_space<vmem>>
    %dma_wait3A_178 = arith.constant 0 : i32
    %dma_wait3A_179 = arith.constant 0 : i32
    %dma_wait3A_180 = tpu.memref_slice %arg3[%dma_wait3A_178, %dma_wait3A_179] : memref<8192x128xf32, #tpu.memory_space<hbm>> -> memref<8192x128xf32, #tpu.memory_space<hbm>>
    tpu.wait_indirect_dma semaphore(%arg8 : memref<!tpu.dma_semaphore, #tpu.memory_space<semaphore_mem>>) src(%dma_wait3A_180 : memref<8192x128xf32, #tpu.memory_space<hbm>>) dst(%arg7 : memref<128x128xf32, #tpu.memory_space<vmem>>)
    %dma_wait3A_181 = arith.constant 0 : i32
    %dma_wait3A_182 = tpu.memref_slice %arg4[%add3A_162, %dma_wait3A_181] : memref<65536x128xf32, #tpu.memory_space<hbm>> -> memref<128x128xf32, #tpu.memory_space<hbm>>
    %dma_wait3A_183 = arith.constant 0 : i32
    %dma_wait3A_184 = tpu.memref_slice %arg4[%add3A_162, %dma_wait3A_183] : memref<65536x128xf32, #tpu.memory_space<hbm>> -> memref<128x128xf32, #tpu.memory_space<hbm>>
    tpu.wait_dma2 semaphore(%arg9 : memref<!tpu.dma_semaphore, #tpu.memory_space<semaphore_mem>>) src(%arg6 : memref<128x128xf32, #tpu.memory_space<vmem>>) dst(%dma_wait3A_184 : memref<128x128xf32, #tpu.memory_space<hbm>>)
    %add3A_185 = arith.constant 896 : i32
    %add3A_186 = arith.addi %mul3A_4, %add3A_185 : i32
    %dma_start3A_187 = arith.constant 0 : i32
    %dma_start3A_188 = tpu.memref_slice %arg4[%add3A_186, %dma_start3A_187] : memref<65536x128xf32, #tpu.memory_space<hbm>> -> memref<128x128xf32, #tpu.memory_space<hbm>>
    %dma_start3A_189 = arith.constant 0 : i32
    %dma_start3A_190 = tpu.memref_slice %arg4[%add3A_186, %dma_start3A_189] : memref<65536x128xf32, #tpu.memory_space<hbm>> -> memref<128x128xf32, #tpu.memory_space<hbm>>
    tpu.enqueue_dma source(%arg7 : memref<128x128xf32, #tpu.memory_space<vmem>>) target(%dma_start3A_190 : memref<128x128xf32, #tpu.memory_space<hbm>>) target_semaphore(%arg9 : memref<!tpu.dma_semaphore, #tpu.memory_space<semaphore_mem>>)
    %dma_start3A_191 = arith.constant 8 : i32
    %dma_start3A_192 = arith.constant 0 : i32
    %dma_start3A_193 = tpu.memref_slice %arg5[%dma_start3A_191, %dma_start3A_192] : memref<16x128xi32, #tpu.memory_space<vmem>> -> memref<1x128xi32, #tpu.memory_space<vmem>>
    %dma_start3A_194 = tpu.memref_squeeze %dma_start3A_193 : memref<1x128xi32, #tpu.memory_space<vmem>> -> memref<128xi32, #tpu.memory_space<vmem>>
    %dma_start3A_195 = arith.constant 0 : i32
    %dma_start3A_196 = arith.constant 0 : i32
    %dma_start3A_197 = tpu.memref_slice %arg3[%dma_start3A_195, %dma_start3A_196] : memref<8192x128xf32, #tpu.memory_space<hbm>> -> memref<8192x128xf32, #tpu.memory_space<hbm>>
    tpu.enqueue_indirect_dma source(%dma_start3A_197 : memref<8192x128xf32, #tpu.memory_space<hbm>>) target(%arg6 : memref<128x128xf32, #tpu.memory_space<vmem>>) offsets(%dma_start3A_194 : memref<128xi32, #tpu.memory_space<vmem>>) semaphore(%arg8 : memref<!tpu.dma_semaphore, #tpu.memory_space<semaphore_mem>>)
    %dma_wait3A_198 = arith.constant 8 : i32
    %dma_wait3A_199 = arith.constant 0 : i32
    %dma_wait3A_200 = tpu.memref_slice %arg5[%dma_wait3A_198, %dma_wait3A_199] : memref<16x128xi32, #tpu.memory_space<vmem>> -> memref<1x128xi32, #tpu.memory_space<vmem>>
    %dma_wait3A_201 = tpu.memref_squeeze %dma_wait3A_200 : memref<1x128xi32, #tpu.memory_space<vmem>> -> memref<128xi32, #tpu.memory_space<vmem>>
    %dma_wait3A_202 = arith.constant 0 : i32
    %dma_wait3A_203 = arith.constant 0 : i32
    %dma_wait3A_204 = tpu.memref_slice %arg3[%dma_wait3A_202, %dma_wait3A_203] : memref<8192x128xf32, #tpu.memory_space<hbm>> -> memref<8192x128xf32, #tpu.memory_space<hbm>>
    tpu.wait_indirect_dma semaphore(%arg8 : memref<!tpu.dma_semaphore, #tpu.memory_space<semaphore_mem>>) src(%dma_wait3A_204 : memref<8192x128xf32, #tpu.memory_space<hbm>>) dst(%arg6 : memref<128x128xf32, #tpu.memory_space<vmem>>)
    %dma_wait3A_205 = arith.constant 0 : i32
    %dma_wait3A_206 = tpu.memref_slice %arg4[%add3A_186, %dma_wait3A_205] : memref<65536x128xf32, #tpu.memory_space<hbm>> -> memref<128x128xf32, #tpu.memory_space<hbm>>
    %dma_wait3A_207 = arith.constant 0 : i32
    %dma_wait3A_208 = tpu.memref_slice %arg4[%add3A_186, %dma_wait3A_207] : memref<65536x128xf32, #tpu.memory_space<hbm>> -> memref<128x128xf32, #tpu.memory_space<hbm>>
    tpu.wait_dma2 semaphore(%arg9 : memref<!tpu.dma_semaphore, #tpu.memory_space<semaphore_mem>>) src(%arg7 : memref<128x128xf32, #tpu.memory_space<vmem>>) dst(%dma_wait3A_208 : memref<128x128xf32, #tpu.memory_space<hbm>>)
    %add3A_209 = arith.constant 1024 : i32
    %add3A_210 = arith.addi %mul3A_4, %add3A_209 : i32
    %dma_start3A_211 = arith.constant 0 : i32
    %dma_start3A_212 = tpu.memref_slice %arg4[%add3A_210, %dma_start3A_211] : memref<65536x128xf32, #tpu.memory_space<hbm>> -> memref<128x128xf32, #tpu.memory_space<hbm>>
    %dma_start3A_213 = arith.constant 0 : i32
    %dma_start3A_214 = tpu.memref_slice %arg4[%add3A_210, %dma_start3A_213] : memref<65536x128xf32, #tpu.memory_space<hbm>> -> memref<128x128xf32, #tpu.memory_space<hbm>>
    tpu.enqueue_dma source(%arg6 : memref<128x128xf32, #tpu.memory_space<vmem>>) target(%dma_start3A_214 : memref<128x128xf32, #tpu.memory_space<hbm>>) target_semaphore(%arg9 : memref<!tpu.dma_semaphore, #tpu.memory_space<semaphore_mem>>)
    %dma_start3A_215 = arith.constant 9 : i32
    %dma_start3A_216 = arith.constant 0 : i32
    %dma_start3A_217 = tpu.memref_slice %arg5[%dma_start3A_215, %dma_start3A_216] : memref<16x128xi32, #tpu.memory_space<vmem>> -> memref<1x128xi32, #tpu.memory_space<vmem>>
    %dma_start3A_218 = tpu.memref_squeeze %dma_start3A_217 : memref<1x128xi32, #tpu.memory_space<vmem>> -> memref<128xi32, #tpu.memory_space<vmem>>
    %dma_start3A_219 = arith.constant 0 : i32
    %dma_start3A_220 = arith.constant 0 : i32
    %dma_start3A_221 = tpu.memref_slice %arg3[%dma_start3A_219, %dma_start3A_220] : memref<8192x128xf32, #tpu.memory_space<hbm>> -> memref<8192x128xf32, #tpu.memory_space<hbm>>
    tpu.enqueue_indirect_dma source(%dma_start3A_221 : memref<8192x128xf32, #tpu.memory_space<hbm>>) target(%arg7 : memref<128x128xf32, #tpu.memory_space<vmem>>) offsets(%dma_start3A_218 : memref<128xi32, #tpu.memory_space<vmem>>) semaphore(%arg8 : memref<!tpu.dma_semaphore, #tpu.memory_space<semaphore_mem>>)
    %dma_wait3A_222 = arith.constant 9 : i32
    %dma_wait3A_223 = arith.constant 0 : i32
    %dma_wait3A_224 = tpu.memref_slice %arg5[%dma_wait3A_222, %dma_wait3A_223] : memref<16x128xi32, #tpu.memory_space<vmem>> -> memref<1x128xi32, #tpu.memory_space<vmem>>
    %dma_wait3A_225 = tpu.memref_squeeze %dma_wait3A_224 : memref<1x128xi32, #tpu.memory_space<vmem>> -> memref<128xi32, #tpu.memory_space<vmem>>
    %dma_wait3A_226 = arith.constant 0 : i32
    %dma_wait3A_227 = arith.constant 0 : i32
    %dma_wait3A_228 = tpu.memref_slice %arg3[%dma_wait3A_226, %dma_wait3A_227] : memref<8192x128xf32, #tpu.memory_space<hbm>> -> memref<8192x128xf32, #tpu.memory_space<hbm>>
    tpu.wait_indirect_dma semaphore(%arg8 : memref<!tpu.dma_semaphore, #tpu.memory_space<semaphore_mem>>) src(%dma_wait3A_228 : memref<8192x128xf32, #tpu.memory_space<hbm>>) dst(%arg7 : memref<128x128xf32, #tpu.memory_space<vmem>>)
    %dma_wait3A_229 = arith.constant 0 : i32
    %dma_wait3A_230 = tpu.memref_slice %arg4[%add3A_210, %dma_wait3A_229] : memref<65536x128xf32, #tpu.memory_space<hbm>> -> memref<128x128xf32, #tpu.memory_space<hbm>>
    %dma_wait3A_231 = arith.constant 0 : i32
    %dma_wait3A_232 = tpu.memref_slice %arg4[%add3A_210, %dma_wait3A_231] : memref<65536x128xf32, #tpu.memory_space<hbm>> -> memref<128x128xf32, #tpu.memory_space<hbm>>
    tpu.wait_dma2 semaphore(%arg9 : memref<!tpu.dma_semaphore, #tpu.memory_space<semaphore_mem>>) src(%arg6 : memref<128x128xf32, #tpu.memory_space<vmem>>) dst(%dma_wait3A_232 : memref<128x128xf32, #tpu.memory_space<hbm>>)
    %add3A_233 = arith.constant 1152 : i32
    %add3A_234 = arith.addi %mul3A_4, %add3A_233 : i32
    %dma_start3A_235 = arith.constant 0 : i32
    %dma_start3A_236 = tpu.memref_slice %arg4[%add3A_234, %dma_start3A_235] : memref<65536x128xf32, #tpu.memory_space<hbm>> -> memref<128x128xf32, #tpu.memory_space<hbm>>
    %dma_start3A_237 = arith.constant 0 : i32
    %dma_start3A_238 = tpu.memref_slice %arg4[%add3A_234, %dma_start3A_237] : memref<65536x128xf32, #tpu.memory_space<hbm>> -> memref<128x128xf32, #tpu.memory_space<hbm>>
    tpu.enqueue_dma source(%arg7 : memref<128x128xf32, #tpu.memory_space<vmem>>) target(%dma_start3A_238 : memref<128x128xf32, #tpu.memory_space<hbm>>) target_semaphore(%arg9 : memref<!tpu.dma_semaphore, #tpu.memory_space<semaphore_mem>>)
    %dma_start3A_239 = arith.constant 10 : i32
    %dma_start3A_240 = arith.constant 0 : i32
    %dma_start3A_241 = tpu.memref_slice %arg5[%dma_start3A_239, %dma_start3A_240] : memref<16x128xi32, #tpu.memory_space<vmem>> -> memref<1x128xi32, #tpu.memory_space<vmem>>
    %dma_start3A_242 = tpu.memref_squeeze %dma_start3A_241 : memref<1x128xi32, #tpu.memory_space<vmem>> -> memref<128xi32, #tpu.memory_space<vmem>>
    %dma_start3A_243 = arith.constant 0 : i32
    %dma_start3A_244 = arith.constant 0 : i32
    %dma_start3A_245 = tpu.memref_slice %arg3[%dma_start3A_243, %dma_start3A_244] : memref<8192x128xf32, #tpu.memory_space<hbm>> -> memref<8192x128xf32, #tpu.memory_space<hbm>>
    tpu.enqueue_indirect_dma source(%dma_start3A_245 : memref<8192x128xf32, #tpu.memory_space<hbm>>) target(%arg6 : memref<128x128xf32, #tpu.memory_space<vmem>>) offsets(%dma_start3A_242 : memref<128xi32, #tpu.memory_space<vmem>>) semaphore(%arg8 : memref<!tpu.dma_semaphore, #tpu.memory_space<semaphore_mem>>)
    %dma_wait3A_246 = arith.constant 10 : i32
    %dma_wait3A_247 = arith.constant 0 : i32
    %dma_wait3A_248 = tpu.memref_slice %arg5[%dma_wait3A_246, %dma_wait3A_247] : memref<16x128xi32, #tpu.memory_space<vmem>> -> memref<1x128xi32, #tpu.memory_space<vmem>>
    %dma_wait3A_249 = tpu.memref_squeeze %dma_wait3A_248 : memref<1x128xi32, #tpu.memory_space<vmem>> -> memref<128xi32, #tpu.memory_space<vmem>>
    %dma_wait3A_250 = arith.constant 0 : i32
    %dma_wait3A_251 = arith.constant 0 : i32
    %dma_wait3A_252 = tpu.memref_slice %arg3[%dma_wait3A_250, %dma_wait3A_251] : memref<8192x128xf32, #tpu.memory_space<hbm>> -> memref<8192x128xf32, #tpu.memory_space<hbm>>
    tpu.wait_indirect_dma semaphore(%arg8 : memref<!tpu.dma_semaphore, #tpu.memory_space<semaphore_mem>>) src(%dma_wait3A_252 : memref<8192x128xf32, #tpu.memory_space<hbm>>) dst(%arg6 : memref<128x128xf32, #tpu.memory_space<vmem>>)
    %dma_wait3A_253 = arith.constant 0 : i32
    %dma_wait3A_254 = tpu.memref_slice %arg4[%add3A_234, %dma_wait3A_253] : memref<65536x128xf32, #tpu.memory_space<hbm>> -> memref<128x128xf32, #tpu.memory_space<hbm>>
    %dma_wait3A_255 = arith.constant 0 : i32
    %dma_wait3A_256 = tpu.memref_slice %arg4[%add3A_234, %dma_wait3A_255] : memref<65536x128xf32, #tpu.memory_space<hbm>> -> memref<128x128xf32, #tpu.memory_space<hbm>>
    tpu.wait_dma2 semaphore(%arg9 : memref<!tpu.dma_semaphore, #tpu.memory_space<semaphore_mem>>) src(%arg7 : memref<128x128xf32, #tpu.memory_space<vmem>>) dst(%dma_wait3A_256 : memref<128x128xf32, #tpu.memory_space<hbm>>)
    %add3A_257 = arith.constant 1280 : i32
    %add3A_258 = arith.addi %mul3A_4, %add3A_257 : i32
    %dma_start3A_259 = arith.constant 0 : i32
    %dma_start3A_260 = tpu.memref_slice %arg4[%add3A_258, %dma_start3A_259] : memref<65536x128xf32, #tpu.memory_space<hbm>> -> memref<128x128xf32, #tpu.memory_space<hbm>>
    %dma_start3A_261 = arith.constant 0 : i32
    %dma_start3A_262 = tpu.memref_slice %arg4[%add3A_258, %dma_start3A_261] : memref<65536x128xf32, #tpu.memory_space<hbm>> -> memref<128x128xf32, #tpu.memory_space<hbm>>
    tpu.enqueue_dma source(%arg6 : memref<128x128xf32, #tpu.memory_space<vmem>>) target(%dma_start3A_262 : memref<128x128xf32, #tpu.memory_space<hbm>>) target_semaphore(%arg9 : memref<!tpu.dma_semaphore, #tpu.memory_space<semaphore_mem>>)
    %dma_start3A_263 = arith.constant 11 : i32
    %dma_start3A_264 = arith.constant 0 : i32
    %dma_start3A_265 = tpu.memref_slice %arg5[%dma_start3A_263, %dma_start3A_264] : memref<16x128xi32, #tpu.memory_space<vmem>> -> memref<1x128xi32, #tpu.memory_space<vmem>>
    %dma_start3A_266 = tpu.memref_squeeze %dma_start3A_265 : memref<1x128xi32, #tpu.memory_space<vmem>> -> memref<128xi32, #tpu.memory_space<vmem>>
    %dma_start3A_267 = arith.constant 0 : i32
    %dma_start3A_268 = arith.constant 0 : i32
    %dma_start3A_269 = tpu.memref_slice %arg3[%dma_start3A_267, %dma_start3A_268] : memref<8192x128xf32, #tpu.memory_space<hbm>> -> memref<8192x128xf32, #tpu.memory_space<hbm>>
    tpu.enqueue_indirect_dma source(%dma_start3A_269 : memref<8192x128xf32, #tpu.memory_space<hbm>>) target(%arg7 : memref<128x128xf32, #tpu.memory_space<vmem>>) offsets(%dma_start3A_266 : memref<128xi32, #tpu.memory_space<vmem>>) semaphore(%arg8 : memref<!tpu.dma_semaphore, #tpu.memory_space<semaphore_mem>>)
    %dma_wait3A_270 = arith.constant 11 : i32
    %dma_wait3A_271 = arith.constant 0 : i32
    %dma_wait3A_272 = tpu.memref_slice %arg5[%dma_wait3A_270, %dma_wait3A_271] : memref<16x128xi32, #tpu.memory_space<vmem>> -> memref<1x128xi32, #tpu.memory_space<vmem>>
    %dma_wait3A_273 = tpu.memref_squeeze %dma_wait3A_272 : memref<1x128xi32, #tpu.memory_space<vmem>> -> memref<128xi32, #tpu.memory_space<vmem>>
    %dma_wait3A_274 = arith.constant 0 : i32
    %dma_wait3A_275 = arith.constant 0 : i32
    %dma_wait3A_276 = tpu.memref_slice %arg3[%dma_wait3A_274, %dma_wait3A_275] : memref<8192x128xf32, #tpu.memory_space<hbm>> -> memref<8192x128xf32, #tpu.memory_space<hbm>>
    tpu.wait_indirect_dma semaphore(%arg8 : memref<!tpu.dma_semaphore, #tpu.memory_space<semaphore_mem>>) src(%dma_wait3A_276 : memref<8192x128xf32, #tpu.memory_space<hbm>>) dst(%arg7 : memref<128x128xf32, #tpu.memory_space<vmem>>)
    %dma_wait3A_277 = arith.constant 0 : i32
    %dma_wait3A_278 = tpu.memref_slice %arg4[%add3A_258, %dma_wait3A_277] : memref<65536x128xf32, #tpu.memory_space<hbm>> -> memref<128x128xf32, #tpu.memory_space<hbm>>
    %dma_wait3A_279 = arith.constant 0 : i32
    %dma_wait3A_280 = tpu.memref_slice %arg4[%add3A_258, %dma_wait3A_279] : memref<65536x128xf32, #tpu.memory_space<hbm>> -> memref<128x128xf32, #tpu.memory_space<hbm>>
    tpu.wait_dma2 semaphore(%arg9 : memref<!tpu.dma_semaphore, #tpu.memory_space<semaphore_mem>>) src(%arg6 : memref<128x128xf32, #tpu.memory_space<vmem>>) dst(%dma_wait3A_280 : memref<128x128xf32, #tpu.memory_space<hbm>>)
    %add3A_281 = arith.constant 1408 : i32
    %add3A_282 = arith.addi %mul3A_4, %add3A_281 : i32
    %dma_start3A_283 = arith.constant 0 : i32
    %dma_start3A_284 = tpu.memref_slice %arg4[%add3A_282, %dma_start3A_283] : memref<65536x128xf32, #tpu.memory_space<hbm>> -> memref<128x128xf32, #tpu.memory_space<hbm>>
    %dma_start3A_285 = arith.constant 0 : i32
    %dma_start3A_286 = tpu.memref_slice %arg4[%add3A_282, %dma_start3A_285] : memref<65536x128xf32, #tpu.memory_space<hbm>> -> memref<128x128xf32, #tpu.memory_space<hbm>>
    tpu.enqueue_dma source(%arg7 : memref<128x128xf32, #tpu.memory_space<vmem>>) target(%dma_start3A_286 : memref<128x128xf32, #tpu.memory_space<hbm>>) target_semaphore(%arg9 : memref<!tpu.dma_semaphore, #tpu.memory_space<semaphore_mem>>)
    %dma_start3A_287 = arith.constant 12 : i32
    %dma_start3A_288 = arith.constant 0 : i32
    %dma_start3A_289 = tpu.memref_slice %arg5[%dma_start3A_287, %dma_start3A_288] : memref<16x128xi32, #tpu.memory_space<vmem>> -> memref<1x128xi32, #tpu.memory_space<vmem>>
    %dma_start3A_290 = tpu.memref_squeeze %dma_start3A_289 : memref<1x128xi32, #tpu.memory_space<vmem>> -> memref<128xi32, #tpu.memory_space<vmem>>
    %dma_start3A_291 = arith.constant 0 : i32
    %dma_start3A_292 = arith.constant 0 : i32
    %dma_start3A_293 = tpu.memref_slice %arg3[%dma_start3A_291, %dma_start3A_292] : memref<8192x128xf32, #tpu.memory_space<hbm>> -> memref<8192x128xf32, #tpu.memory_space<hbm>>
    tpu.enqueue_indirect_dma source(%dma_start3A_293 : memref<8192x128xf32, #tpu.memory_space<hbm>>) target(%arg6 : memref<128x128xf32, #tpu.memory_space<vmem>>) offsets(%dma_start3A_290 : memref<128xi32, #tpu.memory_space<vmem>>) semaphore(%arg8 : memref<!tpu.dma_semaphore, #tpu.memory_space<semaphore_mem>>)
    %dma_wait3A_294 = arith.constant 12 : i32
    %dma_wait3A_295 = arith.constant 0 : i32
    %dma_wait3A_296 = tpu.memref_slice %arg5[%dma_wait3A_294, %dma_wait3A_295] : memref<16x128xi32, #tpu.memory_space<vmem>> -> memref<1x128xi32, #tpu.memory_space<vmem>>
    %dma_wait3A_297 = tpu.memref_squeeze %dma_wait3A_296 : memref<1x128xi32, #tpu.memory_space<vmem>> -> memref<128xi32, #tpu.memory_space<vmem>>
    %dma_wait3A_298 = arith.constant 0 : i32
    %dma_wait3A_299 = arith.constant 0 : i32
    %dma_wait3A_300 = tpu.memref_slice %arg3[%dma_wait3A_298, %dma_wait3A_299] : memref<8192x128xf32, #tpu.memory_space<hbm>> -> memref<8192x128xf32, #tpu.memory_space<hbm>>
    tpu.wait_indirect_dma semaphore(%arg8 : memref<!tpu.dma_semaphore, #tpu.memory_space<semaphore_mem>>) src(%dma_wait3A_300 : memref<8192x128xf32, #tpu.memory_space<hbm>>) dst(%arg6 : memref<128x128xf32, #tpu.memory_space<vmem>>)
    %dma_wait3A_301 = arith.constant 0 : i32
    %dma_wait3A_302 = tpu.memref_slice %arg4[%add3A_282, %dma_wait3A_301] : memref<65536x128xf32, #tpu.memory_space<hbm>> -> memref<128x128xf32, #tpu.memory_space<hbm>>
    %dma_wait3A_303 = arith.constant 0 : i32
    %dma_wait3A_304 = tpu.memref_slice %arg4[%add3A_282, %dma_wait3A_303] : memref<65536x128xf32, #tpu.memory_space<hbm>> -> memref<128x128xf32, #tpu.memory_space<hbm>>
    tpu.wait_dma2 semaphore(%arg9 : memref<!tpu.dma_semaphore, #tpu.memory_space<semaphore_mem>>) src(%arg7 : memref<128x128xf32, #tpu.memory_space<vmem>>) dst(%dma_wait3A_304 : memref<128x128xf32, #tpu.memory_space<hbm>>)
    %add3A_305 = arith.constant 1536 : i32
    %add3A_306 = arith.addi %mul3A_4, %add3A_305 : i32
    %dma_start3A_307 = arith.constant 0 : i32
    %dma_start3A_308 = tpu.memref_slice %arg4[%add3A_306, %dma_start3A_307] : memref<65536x128xf32, #tpu.memory_space<hbm>> -> memref<128x128xf32, #tpu.memory_space<hbm>>
    %dma_start3A_309 = arith.constant 0 : i32
    %dma_start3A_310 = tpu.memref_slice %arg4[%add3A_306, %dma_start3A_309] : memref<65536x128xf32, #tpu.memory_space<hbm>> -> memref<128x128xf32, #tpu.memory_space<hbm>>
    tpu.enqueue_dma source(%arg6 : memref<128x128xf32, #tpu.memory_space<vmem>>) target(%dma_start3A_310 : memref<128x128xf32, #tpu.memory_space<hbm>>) target_semaphore(%arg9 : memref<!tpu.dma_semaphore, #tpu.memory_space<semaphore_mem>>)
    %dma_start3A_311 = arith.constant 13 : i32
    %dma_start3A_312 = arith.constant 0 : i32
    %dma_start3A_313 = tpu.memref_slice %arg5[%dma_start3A_311, %dma_start3A_312] : memref<16x128xi32, #tpu.memory_space<vmem>> -> memref<1x128xi32, #tpu.memory_space<vmem>>
    %dma_start3A_314 = tpu.memref_squeeze %dma_start3A_313 : memref<1x128xi32, #tpu.memory_space<vmem>> -> memref<128xi32, #tpu.memory_space<vmem>>
    %dma_start3A_315 = arith.constant 0 : i32
    %dma_start3A_316 = arith.constant 0 : i32
    %dma_start3A_317 = tpu.memref_slice %arg3[%dma_start3A_315, %dma_start3A_316] : memref<8192x128xf32, #tpu.memory_space<hbm>> -> memref<8192x128xf32, #tpu.memory_space<hbm>>
    tpu.enqueue_indirect_dma source(%dma_start3A_317 : memref<8192x128xf32, #tpu.memory_space<hbm>>) target(%arg7 : memref<128x128xf32, #tpu.memory_space<vmem>>) offsets(%dma_start3A_314 : memref<128xi32, #tpu.memory_space<vmem>>) semaphore(%arg8 : memref<!tpu.dma_semaphore, #tpu.memory_space<semaphore_mem>>)
    %dma_wait3A_318 = arith.constant 13 : i32
    %dma_wait3A_319 = arith.constant 0 : i32
    %dma_wait3A_320 = tpu.memref_slice %arg5[%dma_wait3A_318, %dma_wait3A_319] : memref<16x128xi32, #tpu.memory_space<vmem>> -> memref<1x128xi32, #tpu.memory_space<vmem>>
    %dma_wait3A_321 = tpu.memref_squeeze %dma_wait3A_320 : memref<1x128xi32, #tpu.memory_space<vmem>> -> memref<128xi32, #tpu.memory_space<vmem>>
    %dma_wait3A_322 = arith.constant 0 : i32
    %dma_wait3A_323 = arith.constant 0 : i32
    %dma_wait3A_324 = tpu.memref_slice %arg3[%dma_wait3A_322, %dma_wait3A_323] : memref<8192x128xf32, #tpu.memory_space<hbm>> -> memref<8192x128xf32, #tpu.memory_space<hbm>>
    tpu.wait_indirect_dma semaphore(%arg8 : memref<!tpu.dma_semaphore, #tpu.memory_space<semaphore_mem>>) src(%dma_wait3A_324 : memref<8192x128xf32, #tpu.memory_space<hbm>>) dst(%arg7 : memref<128x128xf32, #tpu.memory_space<vmem>>)
    %dma_wait3A_325 = arith.constant 0 : i32
    %dma_wait3A_326 = tpu.memref_slice %arg4[%add3A_306, %dma_wait3A_325] : memref<65536x128xf32, #tpu.memory_space<hbm>> -> memref<128x128xf32, #tpu.memory_space<hbm>>
    %dma_wait3A_327 = arith.constant 0 : i32
    %dma_wait3A_328 = tpu.memref_slice %arg4[%add3A_306, %dma_wait3A_327] : memref<65536x128xf32, #tpu.memory_space<hbm>> -> memref<128x128xf32, #tpu.memory_space<hbm>>
    tpu.wait_dma2 semaphore(%arg9 : memref<!tpu.dma_semaphore, #tpu.memory_space<semaphore_mem>>) src(%arg6 : memref<128x128xf32, #tpu.memory_space<vmem>>) dst(%dma_wait3A_328 : memref<128x128xf32, #tpu.memory_space<hbm>>)
    %add3A_329 = arith.constant 1664 : i32
    %add3A_330 = arith.addi %mul3A_4, %add3A_329 : i32
    %dma_start3A_331 = arith.constant 0 : i32
    %dma_start3A_332 = tpu.memref_slice %arg4[%add3A_330, %dma_start3A_331] : memref<65536x128xf32, #tpu.memory_space<hbm>> -> memref<128x128xf32, #tpu.memory_space<hbm>>
    %dma_start3A_333 = arith.constant 0 : i32
    %dma_start3A_334 = tpu.memref_slice %arg4[%add3A_330, %dma_start3A_333] : memref<65536x128xf32, #tpu.memory_space<hbm>> -> memref<128x128xf32, #tpu.memory_space<hbm>>
    tpu.enqueue_dma source(%arg7 : memref<128x128xf32, #tpu.memory_space<vmem>>) target(%dma_start3A_334 : memref<128x128xf32, #tpu.memory_space<hbm>>) target_semaphore(%arg9 : memref<!tpu.dma_semaphore, #tpu.memory_space<semaphore_mem>>)
    %dma_start3A_335 = arith.constant 14 : i32
    %dma_start3A_336 = arith.constant 0 : i32
    %dma_start3A_337 = tpu.memref_slice %arg5[%dma_start3A_335, %dma_start3A_336] : memref<16x128xi32, #tpu.memory_space<vmem>> -> memref<1x128xi32, #tpu.memory_space<vmem>>
    %dma_start3A_338 = tpu.memref_squeeze %dma_start3A_337 : memref<1x128xi32, #tpu.memory_space<vmem>> -> memref<128xi32, #tpu.memory_space<vmem>>
    %dma_start3A_339 = arith.constant 0 : i32
    %dma_start3A_340 = arith.constant 0 : i32
    %dma_start3A_341 = tpu.memref_slice %arg3[%dma_start3A_339, %dma_start3A_340] : memref<8192x128xf32, #tpu.memory_space<hbm>> -> memref<8192x128xf32, #tpu.memory_space<hbm>>
    tpu.enqueue_indirect_dma source(%dma_start3A_341 : memref<8192x128xf32, #tpu.memory_space<hbm>>) target(%arg6 : memref<128x128xf32, #tpu.memory_space<vmem>>) offsets(%dma_start3A_338 : memref<128xi32, #tpu.memory_space<vmem>>) semaphore(%arg8 : memref<!tpu.dma_semaphore, #tpu.memory_space<semaphore_mem>>)
    %dma_wait3A_342 = arith.constant 14 : i32
    %dma_wait3A_343 = arith.constant 0 : i32
    %dma_wait3A_344 = tpu.memref_slice %arg5[%dma_wait3A_342, %dma_wait3A_343] : memref<16x128xi32, #tpu.memory_space<vmem>> -> memref<1x128xi32, #tpu.memory_space<vmem>>
    %dma_wait3A_345 = tpu.memref_squeeze %dma_wait3A_344 : memref<1x128xi32, #tpu.memory_space<vmem>> -> memref<128xi32, #tpu.memory_space<vmem>>
    %dma_wait3A_346 = arith.constant 0 : i32
    %dma_wait3A_347 = arith.constant 0 : i32
    %dma_wait3A_348 = tpu.memref_slice %arg3[%dma_wait3A_346, %dma_wait3A_347] : memref<8192x128xf32, #tpu.memory_space<hbm>> -> memref<8192x128xf32, #tpu.memory_space<hbm>>
    tpu.wait_indirect_dma semaphore(%arg8 : memref<!tpu.dma_semaphore, #tpu.memory_space<semaphore_mem>>) src(%dma_wait3A_348 : memref<8192x128xf32, #tpu.memory_space<hbm>>) dst(%arg6 : memref<128x128xf32, #tpu.memory_space<vmem>>)
    %dma_wait3A_349 = arith.constant 0 : i32
    %dma_wait3A_350 = tpu.memref_slice %arg4[%add3A_330, %dma_wait3A_349] : memref<65536x128xf32, #tpu.memory_space<hbm>> -> memref<128x128xf32, #tpu.memory_space<hbm>>
    %dma_wait3A_351 = arith.constant 0 : i32
    %dma_wait3A_352 = tpu.memref_slice %arg4[%add3A_330, %dma_wait3A_351] : memref<65536x128xf32, #tpu.memory_space<hbm>> -> memref<128x128xf32, #tpu.memory_space<hbm>>
    tpu.wait_dma2 semaphore(%arg9 : memref<!tpu.dma_semaphore, #tpu.memory_space<semaphore_mem>>) src(%arg7 : memref<128x128xf32, #tpu.memory_space<vmem>>) dst(%dma_wait3A_352 : memref<128x128xf32, #tpu.memory_space<hbm>>)
    %add3A_353 = arith.constant 1792 : i32
    %add3A_354 = arith.addi %mul3A_4, %add3A_353 : i32
    %dma_start3A_355 = arith.constant 0 : i32
    %dma_start3A_356 = tpu.memref_slice %arg4[%add3A_354, %dma_start3A_355] : memref<65536x128xf32, #tpu.memory_space<hbm>> -> memref<128x128xf32, #tpu.memory_space<hbm>>
    %dma_start3A_357 = arith.constant 0 : i32
    %dma_start3A_358 = tpu.memref_slice %arg4[%add3A_354, %dma_start3A_357] : memref<65536x128xf32, #tpu.memory_space<hbm>> -> memref<128x128xf32, #tpu.memory_space<hbm>>
    tpu.enqueue_dma source(%arg6 : memref<128x128xf32, #tpu.memory_space<vmem>>) target(%dma_start3A_358 : memref<128x128xf32, #tpu.memory_space<hbm>>) target_semaphore(%arg9 : memref<!tpu.dma_semaphore, #tpu.memory_space<semaphore_mem>>)
    %dma_start3A_359 = arith.constant 15 : i32
    %dma_start3A_360 = arith.constant 0 : i32
    %dma_start3A_361 = tpu.memref_slice %arg5[%dma_start3A_359, %dma_start3A_360] : memref<16x128xi32, #tpu.memory_space<vmem>> -> memref<1x128xi32, #tpu.memory_space<vmem>>
    %dma_start3A_362 = tpu.memref_squeeze %dma_start3A_361 : memref<1x128xi32, #tpu.memory_space<vmem>> -> memref<128xi32, #tpu.memory_space<vmem>>
    %dma_start3A_363 = arith.constant 0 : i32
    %dma_start3A_364 = arith.constant 0 : i32
    %dma_start3A_365 = tpu.memref_slice %arg3[%dma_start3A_363, %dma_start3A_364] : memref<8192x128xf32, #tpu.memory_space<hbm>> -> memref<8192x128xf32, #tpu.memory_space<hbm>>
    tpu.enqueue_indirect_dma source(%dma_start3A_365 : memref<8192x128xf32, #tpu.memory_space<hbm>>) target(%arg7 : memref<128x128xf32, #tpu.memory_space<vmem>>) offsets(%dma_start3A_362 : memref<128xi32, #tpu.memory_space<vmem>>) semaphore(%arg8 : memref<!tpu.dma_semaphore, #tpu.memory_space<semaphore_mem>>)
    %dma_wait3A_366 = arith.constant 15 : i32
    %dma_wait3A_367 = arith.constant 0 : i32
    %dma_wait3A_368 = tpu.memref_slice %arg5[%dma_wait3A_366, %dma_wait3A_367] : memref<16x128xi32, #tpu.memory_space<vmem>> -> memref<1x128xi32, #tpu.memory_space<vmem>>
    %dma_wait3A_369 = tpu.memref_squeeze %dma_wait3A_368 : memref<1x128xi32, #tpu.memory_space<vmem>> -> memref<128xi32, #tpu.memory_space<vmem>>
    %dma_wait3A_370 = arith.constant 0 : i32
    %dma_wait3A_371 = arith.constant 0 : i32
    %dma_wait3A_372 = tpu.memref_slice %arg3[%dma_wait3A_370, %dma_wait3A_371] : memref<8192x128xf32, #tpu.memory_space<hbm>> -> memref<8192x128xf32, #tpu.memory_space<hbm>>
    tpu.wait_indirect_dma semaphore(%arg8 : memref<!tpu.dma_semaphore, #tpu.memory_space<semaphore_mem>>) src(%dma_wait3A_372 : memref<8192x128xf32, #tpu.memory_space<hbm>>) dst(%arg7 : memref<128x128xf32, #tpu.memory_space<vmem>>)
    %dma_wait3A_373 = arith.constant 0 : i32
    %dma_wait3A_374 = tpu.memref_slice %arg4[%add3A_354, %dma_wait3A_373] : memref<65536x128xf32, #tpu.memory_space<hbm>> -> memref<128x128xf32, #tpu.memory_space<hbm>>
    %dma_wait3A_375 = arith.constant 0 : i32
    %dma_wait3A_376 = tpu.memref_slice %arg4[%add3A_354, %dma_wait3A_375] : memref<65536x128xf32, #tpu.memory_space<hbm>> -> memref<128x128xf32, #tpu.memory_space<hbm>>
    tpu.wait_dma2 semaphore(%arg9 : memref<!tpu.dma_semaphore, #tpu.memory_space<semaphore_mem>>) src(%arg6 : memref<128x128xf32, #tpu.memory_space<vmem>>) dst(%dma_wait3A_376 : memref<128x128xf32, #tpu.memory_space<hbm>>)
    %add3A_377 = arith.constant 1920 : i32
    %add3A_378 = arith.addi %mul3A_4, %add3A_377 : i32
    %dma_start3A_379 = arith.constant 0 : i32
    %dma_start3A_380 = tpu.memref_slice %arg4[%add3A_378, %dma_start3A_379] : memref<65536x128xf32, #tpu.memory_space<hbm>> -> memref<128x128xf32, #tpu.memory_space<hbm>>
    %dma_start3A_381 = arith.constant 0 : i32
    %dma_start3A_382 = tpu.memref_slice %arg4[%add3A_378, %dma_start3A_381] : memref<65536x128xf32, #tpu.memory_space<hbm>> -> memref<128x128xf32, #tpu.memory_space<hbm>>
    tpu.enqueue_dma source(%arg7 : memref<128x128xf32, #tpu.memory_space<vmem>>) target(%dma_start3A_382 : memref<128x128xf32, #tpu.memory_space<hbm>>) target_semaphore(%arg9 : memref<!tpu.dma_semaphore, #tpu.memory_space<semaphore_mem>>)
    %dma_wait3A_383 = arith.constant 0 : i32
    %dma_wait3A_384 = tpu.memref_slice %arg4[%add3A_378, %dma_wait3A_383] : memref<65536x128xf32, #tpu.memory_space<hbm>> -> memref<128x128xf32, #tpu.memory_space<hbm>>
    %dma_wait3A_385 = arith.constant 0 : i32
    %dma_wait3A_386 = tpu.memref_slice %arg4[%add3A_378, %dma_wait3A_385] : memref<65536x128xf32, #tpu.memory_space<hbm>> -> memref<128x128xf32, #tpu.memory_space<hbm>>
    tpu.wait_dma2 semaphore(%arg9 : memref<!tpu.dma_semaphore, #tpu.memory_space<semaphore_mem>>) src(%arg7 : memref<128x128xf32, #tpu.memory_space<vmem>>) dst(%dma_wait3A_386 : memref<128x128xf32, #tpu.memory_space<hbm>>)
    return
  }
}

module attributes {stable_mosaic.version = 14 : i64} {
  func.func @_argmin_body(%arg0: i32, %arg1: memref<1024x64xf32, #tpu.memory_space<vmem>>, %arg2: memref<8192x64xf32, #tpu.memory_space<vmem>>, %arg3: memref<8x8192xf32, #tpu.memory_space<vmem>>, %arg4: memref<1024x1xi32, #tpu.memory_space<vmem>>, %arg5: memref<1024x1xf32, #tpu.memory_space<vmem>>, %arg6: memref<1x1x128xf32, #tpu.memory_space<vmem>>) attributes {dimension_semantics = [#tpu.dimension_semantics<arbitrary>], iteration_bounds = array<i64: 64>, scalar_prefetch = 0 : i64, scratch_operands = 0 : i64, tpu.core_type = #tpu.core_type<tc>, window_params = [{transform_indices = @transform_0, window_bounds = array<i64: 1024, 64>}, {pipeline_mode = #tpu.pipeline_mode<synchronous>, transform_indices = @transform_1, window_bounds = array<i64: 8192, 64>}, {pipeline_mode = #tpu.pipeline_mode<synchronous>, transform_indices = @transform_2, window_bounds = array<i64: 8, 8192>}, {transform_indices = @transform_3, window_bounds = array<i64: 1024, 1>}, {transform_indices = @transform_4, window_bounds = array<i64: 1024, 1>}, {transform_indices = @transform_5, window_bounds = array<i64: 1, 1, 128>}]} {
    %get3A = arith.constant 0 : index
    %get3A_0 = arith.constant 0 : index
    %get3A_1 = vector.load %arg1[%get3A, %get3A_0] : memref<1024x64xf32, #tpu.memory_space<vmem>>, vector<1024x64xf32>
    %get3A_2 = arith.constant 0 : index
    %get3A_3 = arith.constant 0 : index
    %get3A_4 = vector.load %arg2[%get3A_2, %get3A_3] : memref<8192x64xf32, #tpu.memory_space<vmem>>, vector<8192x64xf32>
    %dot_general3A = arith.constant dense<0.000000e+00> : vector<1024x8192xf32>
    %dot_general3A_5 = tpu.matmul %get3A_1, %get3A_4, %dot_general3A {dimension_numbers = #tpu.dot_dimension_numbers<[1], [1], [0], [0], [0, 0, 1, 0], [], []>, transpose_lhs_hint = false} : vector<1024x64xf32>, vector<8192x64xf32>, vector<1024x8192xf32> -> vector<1024x8192xf32>
    %mul3A = arith.mulf %get3A_1, %get3A_1 : vector<1024x64xf32>
    %reduce_sum3A = arith.constant dense<0.000000e+00> : vector<1024xf32>
    %reduce_sum3A_6 = vector.multi_reduction <add>, %mul3A, %reduce_sum3A [1] : vector<1024x64xf32> to vector<1024xf32>
    %broadcast_in_dim3A = vector.shape_cast %reduce_sum3A_6 : vector<1024xf32> to vector<1024x1xf32>
    %mul3A_7 = arith.constant 2.500000e-01 : f32
    %mul3A_8 = vector.broadcast %mul3A_7 : f32 to vector<1024x1xf32>
    %mul3A_9 = arith.mulf %broadcast_in_dim3A, %mul3A_8 : vector<1024x1xf32>
    %reshape3A = vector.shape_cast %mul3A_9 : vector<1024x1xf32> to vector<128x8x1xf32>
    %get3A_10 = arith.constant 0 : index
    %get3A_11 = arith.constant 0 : index
    %get3A_12 = vector.load %arg3[%get3A_10, %get3A_11] : memref<8x8192xf32, #tpu.memory_space<vmem>>, vector<8x8192xf32>
    %broadcast_in_dim3A_13 = vector.shape_cast %get3A_12 : vector<8x8192xf32> to vector<1x8x8192xf32>
    %add3A = vector.broadcast %reshape3A : vector<128x8x1xf32> to vector<128x8x8192xf32>
    %add3A_14 = vector.broadcast %broadcast_in_dim3A_13 : vector<1x8x8192xf32> to vector<128x8x8192xf32>
    %add3A_15 = arith.addf %add3A, %add3A_14 : vector<128x8x8192xf32>
    %reshape3A_16 = vector.shape_cast %dot_general3A_5 : vector<1024x8192xf32> to vector<128x8x8192xf32>
    %sub3A = arith.subf %add3A_15, %reshape3A_16 : vector<128x8x8192xf32>
    %reshape3A_17 = vector.shape_cast %sub3A : vector<128x8x8192xf32> to vector<1024x8192xf32>
    %reduce_min3A = arith.constant dense<0x7F800000> : vector<1024xf32>
    %reduce_min3A_18 = vector.multi_reduction <minimumf>, %reshape3A_17, %reduce_min3A [1] : vector<1024x8192xf32> to vector<1024xf32>
    %broadcast_in_dim3A_19 = vector.shape_cast %reduce_min3A_18 : vector<1024xf32> to vector<1024x1xf32>
    %argmin3A = tpu.reduce_index %reshape3A_17 {axis = 1 : i32, kind = #tpu.reduction_kind<arg_min>} : vector<1024x8192xf32> -> vector<1024xi32>
    %broadcast_in_dim3A_20 = vector.shape_cast %argmin3A : vector<1024xi32> to vector<1024x1xi32>
    %swap3A = arith.constant 0 : index
    %swap3A_21 = arith.constant 0 : index
    %swap3A_22 = vector.load %arg4[%swap3A, %swap3A_21] : memref<1024x1xi32, #tpu.memory_space<vmem>>, vector<1024x1xi32>
    tpu.vector_store %arg4[%swap3A, %swap3A_21], %broadcast_in_dim3A_20 {strides = array<i32>} : memref<1024x1xi32, #tpu.memory_space<vmem>>, vector<1024x1xi32>,
    %convert_element_type3A = arith.sitofp %broadcast_in_dim3A_20 : vector<1024x1xi32> to vector<1024x1xf32>
    %swap3A_23 = arith.constant 0 : index
    %swap3A_24 = arith.constant 0 : index
    %swap3A_25 = vector.load %arg5[%swap3A_23, %swap3A_24] : memref<1024x1xf32, #tpu.memory_space<vmem>>, vector<1024x1xf32>
    tpu.vector_store %arg5[%swap3A_23, %swap3A_24], %convert_element_type3A {strides = array<i32>} : memref<1024x1xf32, #tpu.memory_space<vmem>>, vector<1024x1xf32>,
    %max3A = arith.constant 0.000000e+00 : f32
    %max3A_26 = vector.broadcast %max3A : f32 to vector<1024x1xf32>
    %max3A_27 = arith.maximumf %broadcast_in_dim3A_19, %max3A_26 : vector<1024x1xf32>
    %reduce_sum3A_28 = vector.shape_cast %max3A_27 : vector<1024x1xf32> to vector<1x1024x1xf32>
    %reduce_sum3A_29 = arith.constant dense<0.000000e+00> : vector<1xf32>
    %reduce_sum3A_30 = vector.multi_reduction <add>, %reduce_sum3A_28, %reduce_sum3A_29 [1, 2] : vector<1x1024x1xf32> to vector<1xf32>
    %reduce_sum3A_31 = vector.shape_cast %reduce_sum3A_30 : vector<1xf32> to vector<1x1x1xf32>
    %reduce_sum3A_32 = vector.extract %reduce_sum3A_31[0, 0, 0] : f32 from vector<1x1x1xf32>
    %broadcast_in_dim3A_33 = vector.broadcast %reduce_sum3A_32 : f32 to vector<1x1x128xf32>
    %swap3A_34 = arith.constant 0 : index
    %swap3A_35 = arith.constant 0 : index
    %swap3A_36 = arith.constant 0 : index
    %swap3A_37 = vector.load %arg6[%swap3A_34, %swap3A_35, %swap3A_36] : memref<1x1x128xf32, #tpu.memory_space<vmem>>, vector<1x1x128xf32>
    tpu.vector_store %arg6[%swap3A_34, %swap3A_35, %swap3A_36], %broadcast_in_dim3A_33 {strides = array<i32>} : memref<1x1x128xf32, #tpu.memory_space<vmem>>, vector<1x1x128xf32>,
    return
  }
  func.func @transform_0(%arg0: i32) -> (i32, i32) {
    %c0_i32 = arith.constant 0 : i32
    %c0_i32_0 = arith.constant 0 : i32
    return %arg0, %c0_i32 : i32, i32
  }
  func.func @transform_1(%arg0: i32) -> (i32, i32) {
    %c0_i32 = arith.constant 0 : i32
    %c0_i32_0 = arith.constant 0 : i32
    %c0_i32_1 = arith.constant 0 : i32
    return %c0_i32, %c0_i32_0 : i32, i32
  }
  func.func @transform_2(%arg0: i32) -> (i32, i32) {
    %c0_i32 = arith.constant 0 : i32
    %c0_i32_0 = arith.constant 0 : i32
    %c0_i32_1 = arith.constant 0 : i32
    return %c0_i32, %c0_i32_0 : i32, i32
  }
  func.func @transform_3(%arg0: i32) -> (i32, i32) {
    %c0_i32 = arith.constant 0 : i32
    %c0_i32_0 = arith.constant 0 : i32
    return %arg0, %c0_i32 : i32, i32
  }
  func.func @transform_4(%arg0: i32) -> (i32, i32) {
    %c0_i32 = arith.constant 0 : i32
    %c0_i32_0 = arith.constant 0 : i32
    return %arg0, %c0_i32 : i32, i32
  }
  func.func @transform_5(%arg0: i32) -> (i32, i32, i32) {
    %c0_i32 = arith.constant 0 : i32
    %c0_i32_0 = arith.constant 0 : i32
    %c0_i32_1 = arith.constant 0 : i32
    return %arg0, %c0_i32, %c0_i32_0 : i32, i32, i32
  }
}

</mosaic_0001>

<sc_bundles>
// kernel: kernel.4.cloned.1.call-start
scs
__scs_entry_jumppad:
0x0: {  	(pc) =	sbr.rel $0x88, $3  }
0x1: {  	(tag) =	ssettag $0x0;
	lr =	simm.s32 $0x1  }
0x2: {  	[smem:$0x3F9F] =	sst lr;
	_ =	strace $0xD0000000  }
0x3: {  	_ = 	snop  }
0x4: {  	_ = 	snop  }
0x5: {  	_ = 	snop  }
0x6: {  	_ = 	snop  }
0x7: {  	_ = 	snop  }
__scs_overlays_trampoline_lowered:
0x8: {  	[smem:$0x3FAE] =	sst s0  }
0x9: {  	[smem:$0x3FAF] =	sst s1  }
0xa: {  	[smem:$0x3FB0] =	sst s2  }
0xb: {  	[smem:$0x3FB1] =	sst s3  }
0xc: {  	[smem:$0x3FB2] =	sst s4  }
0xd: {  	[smem:$0x3FB3] =	sst s5  }
0xe: {  	[smem:$0x3FB4] =	sst s6  }
0xf: {  	[smem:$0x3FB5] =	sst s7  }
0x10: {  	[smem:$0x3FB6] =	sst s8  }
0x11: {  	[smem:$0x3FB7] =	sst s9;
	s0 =	simm.s32 @!p0 $0x0  }
0x12: {  	s1 =	sld [smem:$0x3F9D];
	s0 =	simm.s32 @p0 $0x1  }
0x13: {  	[smem:$0x3FB8] =	sst s0;
	s0 =	simm.s32 @!p1 $0x0  }
0x14: {  	s2 =	sld [smem:$0x3F9C];
	s0 =	simm.s32 @p1 $0x1  }
0x15: {  	[smem:$0x3FB9] =	sst s0;
	s0 =	simm.s32 @!p2 $0x0  }
0x16: {  	s3 =	sld [smem:$0x3FDB];
	s0 =	simm.s32 @p2 $0x1  }
0x17: {  	s4 =	simm.s32 $0x1BF5;
	[smem:$0x3FBB] =	sst s0  }
0x18: {  	s0 =	sld [smem:$0x3F9E];
	_ =	swait.ge [sflag:s4], $0x0  }
0x19: {  	s7 =	sld [smem:$0x3F9F]  }
0x1a: {  	s8 =	sadd.s32 $0xFFFFE003, lr  }
0x1b: {  	s9 =	sadd.s32 $0xFFFFFEF7, lr;
	s5 =	simm.s32 $0xFFFFFFFF;
	p2 =	slt.u32 s8, $0xFFFFF086  }
0x1c: {  	p1 =	slt.u32 s9, $0xF7A;
	s5 =	simm.s32 @!p2 $0x0  }
0x1d: {  	s5 =	simm.s32 @p1 $0x1;
	p0 =	seq.s32 s7, s2  }
0x1e: {  	s7 =	smul.u32 @!p0 $0xF7A, s2;
	p2 =	seq.s32 @!p0 s5, $0x0  }
0x1f: {  	s9 =	smul.u32 $0xF7A, s1;
	s8 =	simm.s32 @!p0 $0x1BF5;
	p2 =	por !p2, p0  }
0x20: {  	[sflag:s8] =	ssyncset.s32 @!p0 $0xFFFFF086;
	s6 =	sadd.s32 @!p0 s3, s7;
	s7 =	simm.s32 @!p0 $0x108  }
0x21: {  	s3 =	sadd.s32 s3, s9;
	s6 =	sadd.s32 @!p0 $0x88, s6;
	s7 =	simm.s32 @p2 $0x1082  }
0x22: {  	[simem:s7], [sflag:s8] =	dma.local @!p0 [hbm:s6], $0xF7A  }
0x23: {  	s9 =	sor.u32 $0xD0000000, s2;
	s6 =	simm.s32 $0x108;
	_ =	swait.ge @!p0 [sflag:s8], $0x0  }
0x24: {  	s3 =	sadd.s32 $0x88, s3;
	s6 =	simm.s32 @!p1 $0x1082;
	[sflag:s4] =	ssyncset.s32 $0xFFFFF086  }
0x25: {  	[simem:s6], [sflag:s4] =	dma.local [hbm:s3], $0xF7A  }
0x26: {  	[smem:$0x3F9F] =	sst s1;
	(tag) =	ssettag s2;
	_ =	strace s9  }
0x27: {  	s1 =	sld [smem:$0x3FAF]  }
0x28: {  	s2 =	sld [smem:$0x3FB0]  }
0x29: {  	s4 =	sld [smem:$0x3FB2]  }
0x2a: {  	p0 =	seq.s32 s5, $0x0;
	s5 =	sld [smem:$0x3FB3]  }
0x2b: {  	s6 =	sld [smem:$0x3FB4]  }
0x2c: {  	s7 =	sld [smem:$0x3FB5]  }
0x2d: {  	s3 =	simm.s32 $0x108;
	s8 =	sld [smem:$0x3FB6]  }
0x2e: {  	s3 =	simm.s32 @!p0 $0x1082;
	s9 =	sld [smem:$0x3FB7]  }
0x2f: {  	lr =	sadd.s32 s0, s3;
	s0 =	sld [smem:$0x3FAE]  }
0x30: {  	s3 =	sld [smem:$0x3FB1]  }
0x31: {  	[smem:$0x3FBA] =	sst s10  }
0x32: {  	s10 =	sld [smem:$0x3FB8];
	_ =	sdelay $0x3  }
0x33: {  	p0 =	seq.s32 s10, $0x1;
	s10 =	sld [smem:$0x3FBA];
	_ =	sdelay $0x3  }
0x34: {  	[smem:$0x3FBA] =	sst s10  }
0x35: {  	s10 =	sld [smem:$0x3FB9];
	_ =	sdelay $0x3  }
0x36: {  	p1 =	seq.s32 s10, $0x1;
	s10 =	sld [smem:$0x3FBA];
	_ =	sdelay $0x3  }
0x37: {  	[smem:$0x3FBA] =	sst s10  }
0x38: {  	s10 =	sld [smem:$0x3FBB]  }
0x39: {  	_ = 	snop;
	(pc) =	sbr.ind lr, $3  }
0x3a: {  	_ = 	snop  }
0x3b: {  	_ = 	snop  }
0x3c: {  	p2 =	seq.s32 s10, $0x1;
	s10 =	sld [smem:$0x3FBA]  }
0x3d: {  	_ =	shalt  }
0x3e: {  	_ =	shalt  }
0x3f: {  	_ =	shalt  }
0x40: {  	_ =	shalt  }
0x41: {  	_ =	shalt  }
0x42: {  	_ =	shalt  }
0x43: {  	_ =	shalt  }
0x44: {  	_ =	shalt  }
0x45: {  	_ =	shalt  }
0x46: {  	_ =	shalt  }
0x47: {  	_ =	shalt  }
0x48: {  	_ =	shalt  }
0x49: {  	_ =	shalt  }
0x4a: {  	_ =	shalt  }
0x4b: {  	_ =	shalt  }
0x4c: {  	_ =	shalt  }
0x4d: {  	_ =	shalt  }
0x4e: {  	_ =	shalt  }
0x4f: {  	_ =	shalt  }
0x50: {  	_ =	shalt  }
0x51: {  	_ =	shalt  }
0x52: {  	_ =	shalt  }
0x53: {  	_ =	shalt  }
0x54: {  	_ =	shalt  }
0x55: {  	_ =	shalt  }
0x56: {  	_ =	shalt  }
0x57: {  	_ =	shalt  }
0x58: {  	_ =	shalt  }
0x59: {  	_ =	shalt  }
0x5a: {  	_ =	shalt  }
0x5b: {  	_ =	shalt  }
0x5c: {  	_ =	shalt  }
0x5d: {  	_ =	shalt  }
0x5e: {  	_ =	shalt  }
0x5f: {  	_ =	shalt  }
0x60: {  	_ =	shalt  }
0x61: {  	_ =	shalt  }
0x62: {  	_ =	shalt  }
0x63: {  	_ =	shalt  }
0x64: {  	_ =	shalt  }
0x65: {  	_ =	shalt  }
0x66: {  	_ =	shalt  }
0x67: {  	_ =	shalt  }
0x68: {  	_ =	shalt  }
0x69: {  	_ =	shalt  }
0x6a: {  	_ =	shalt  }
0x6b: {  	_ =	shalt  }
0x6c: {  	_ =	shalt  }
0x6d: {  	_ =	shalt  }
0x6e: {  	_ =	shalt  }
0x6f: {  	_ =	shalt  }
0x70: {  	_ =	shalt  }
0x71: {  	_ =	shalt  }
0x72: {  	_ =	shalt  }
0x73: {  	_ =	shalt  }
0x74: {  	_ =	shalt  }
0x75: {  	_ =	shalt  }
0x76: {  	_ =	shalt  }
0x77: {  	_ =	shalt  }
0x78: {  	_ =	shalt  }
0x79: {  	_ =	shalt  }
0x7a: {  	_ =	shalt  }
0x7b: {  	_ =	shalt  }
0x7c: {  	_ =	shalt  }
0x7d: {  	_ =	shalt  }
0x7e: {  	_ =	shalt  }
0x7f: {  	_ =	shalt  }
0x80: {  	_ =	shalt  }
0x81: {  	_ =	shalt  }
0x82: {  	_ =	shalt  }
0x83: {  	_ =	shalt  }
0x84: {  	_ =	shalt  }
0x85: {  	_ =	shalt  }
0x86: {  	_ =	shalt  }
0x87: {  	_ =	shalt  }
.Lfunc_end0:
.L_simem_size_0:
called_computation_lowered:
.L_overlay_start_0:
0x88: {  	s2 =	sld [smem:$0x3FD9]  }
0x89: {  	s3 =	sld [smem:$0x3FFE];
	_ =	sdelay $0x1  }
0x8a: {  	s1 =	srdreg.scid  }
0x8b: {  	s0 =	sand.u32 $0x1, s1  }
0x8c: {  	s14 =	sshll.u32 s0, $0xA;
	s2 =	sadd.s32 s3, s2  }
0x8d: {  	s2 =	sadd.s32 s2, s14  }
0x8e: {  	[smem:$0x3FC6] =	sst s2  }
0x8f: {  	_ = 	snop  }
0x90: {  	s2 =	sld [smem:$0x3FD0];
	_ =	sdelay $0x2  }
0x91: {  	s15 =	simm.s32 $0xA;
	s4 =	simm.s32 $0x10  }
0x92: {  	[smem:s4], [sflag:s15] =	dma.local [hbm:s2], $0x1  }
0x93: {  	_ =	swait.eq [sflag:s15], $0x1  }
0x94: {  	[sflag:s15] =	ssyncset.done $0x0  }
0x95: {  	[sflag:s15] =	ssyncadd.s32 $0xFFFFFFFF  }
0x96: {  	s16 =	sld [smem:$0x10];
	(tm) =	ssettm $0x1  }
0x97: {  	s17 =	sld [smem:$0x3FFB];
	_ =	sdelay $0x3  }
0x98: {  	_ =	strace s17  }
0x99: {  	s3 =	sld [smem:$0x3FFC];
	_ =	sdelay $0x3  }
0x9a: {  	_ =	strace s3  }
0x9b: {  	s3 =	sld [smem:$0x3FFD];
	_ =	sdelay $0x3  }
0x9c: {  	_ =	strace s3  }
0x9d: {  	_ =	strace $0x8FFFFFFF  }
0x9e: {  	s18 =	sld [smem:$0x3FDB];
	_ =	sdelay $0x1  }
0x9f: {  	s19 =	simm.s32 $_scs_section_size  }
0xa0: {  	s5 =	simm.s32 $_size__tile_overlayer_lowered;
	s6 =	simm.s32 $_tile_overlayer_lowered  }
0xa1: {  	s22 =	simm.s32 $0x1BFF;
	s21 =	sshll.u32 s6, $0x1;
	s3 =	sadd.s32 s19, s18  }
0xa2: {  	s7 =	simm.s32 $0x0;
	s20 =	sshll.u32 s5, $0x1;
	s5 =	sadd.s32 s21, s3  }
0xa3: {  	[timem:s7], [sflag:s22] =	dma.local [hbm:s5], s20  }
0xa4: {  	_ =	swait.ge [sflag:s22], s20  }
0xa5: {  	s4 =	ssub.s32 $0x0, s20;
	[sflag:s22] =	ssyncset.done $0x0  }
0xa6: {  	[sflag:s22] =	ssyncadd.s32 s4;
	_ =	sdelay $0x1  }
0xa7: {  	s23 =	simm.s32 $0x1B8B  }
0xa8: {  	_ =	swait.ge [sflag:s23], $0x1  }
0xa9: {  	[sflag:s23] =	ssyncset.done $0x0  }
0xaa: {  	s25 =	simm.s32 $0x1B8E;
	s24 =	sld [smem:$0x3FFE];
	[sflag:s23] =	ssyncadd.s32 $0xFFFFFFFF  }
0xab: {  	s26 =	simm.s32 $execute0_lowered;
	[smem:$0x3FD2] =	sst s25  }
0xac: {  	s5 =	sshll.u32 s26, $0x1;
	_ =	strace $0x80000046;
	[dreg:$0x1] =	wrdreg $0xFFFFFFFF  }
0xad: {  	s28 =	simm.s32 $_size_execute0_lowered;
	s3 =	sadd.s32 s3, s5;
	[dreg:$0x0] =	wrdreg $0x0  }
0xae: {  	s5 =	sshll.u32 s28, $0x1;
	[dreg:$0x2] =	wrdreg s3  }
0xaf: {  	[dreg:$0x3] =	wrdreg s5  }
0xb0: {  	[dreg:$0x4] =	wrdreg $0xC0  }
0xb1: {  	_ =	task [dreg:s7], $0x5FFFF  }
0xb2: {  	[dreg:$0x1] =	wrdreg $0xFFFFFFFF  }
0xb3: {  	[dreg:$0x0] =	wrdreg $0x60  }
0xb4: {  	[dreg:$0x2] =	wrdreg s24  }
0xb5: {  	[dreg:$0x3] =	wrdreg s16  }
0xb6: {  	[dreg:$0x4] =	wrdreg $0x9  }
0xb7: {  	_ =	task.clear_ibuf [dreg:s7], $0x5FFFF;
	_ =	strace $0x90000046  }
0xb8: {  	s29 =	simm.s32 $0x9;
	_ =	strace $0x80000048  }
0xb9: {  	_ =	swait.ge [sflag:s29], $0x1  }
0xba: {  	[sflag:s29] =	ssyncadd.s32 $0xFFFFFFFF  }
0xbb: {  	_ =	strace $0x90000048  }
0xbc: {  	_ =	sfence  }
0xbd: {  	s30 =	sld [smem:$0x0];
	_ =	sdelay $0x2  }
0xbe: {  	s31 =	sshll.u32 s1, $0xD;
	s1 =	sshrl.u32 s1, $0x2  }
0xbf: {  	s3 =	sand.u32 $0x4000, s31;
	s1 =	sadd.s32 s1, s30  }
0xc0: {  	s0 =	sor.u32 s3, s0;
	s1 =	sshll.u32 s1, $0x11  }
0xc1: {  	s0 =	sor.u32 s1, s0  }
0xc2: {  	s0 =	sadd.s32 $0x8F2B, s0  }
0xc3: {  	[sflag:s0] =	ssyncadd.remote.s32 $0x1  }
0xc4: {  	_ =	sfence.sel $0xFFFF  }
0xc5: {  	[dreg:$0x0] =	wrdreg $0xFFFFFFFF;
	(pc) =	sbr.abs _section_cstart, $3  }
0xc6: {  	[dreg:$0x1] =	wrdreg $0xFFFFFFFF  }
0xc7: {  	_ =	task.clear_ibuf [dreg:s7], $0x2FFFF;
	_ =	strace $0x9FFFFFFF  }
0xc8: {  	(tm) =	ssettm $0x7FFFFFFF  }
0xc9: {  	_ =	shalt  }
tec
execute0_lowered:
.L_overlay_start_1:
0x0: {  	(tag) =	ssettag $0x1  }
0x1: {  	s0 =	rddreg [dreg:$0x0]  }
0x2: {  	s1 =	srdreg.scid;
	s2 =	stileid.u32  }
0x3: {  	s3 =	rddreg [dreg:$0x1];
	s31 =	simm.s32 $0x3;
	s9 =	simm.s32 $0x80  }
0x4: {  	s10 =	simm.s32 $0x800;
	s8 =	simm.s32 $0x1;
	s6 =	simm.s32 $0x4800  }
0x5: {  	s30 =	simm.s32 $0x100;
	s29 =	simm.s32 $0x180;
	s28 =	simm.s32 $0x200  }
0x6: {  	s26 =	simm.s32 $0x280;
	s25 =	simm.s32 $0x300;
	s24 =	simm.s32 $0x380  }
0x7: {  	s23 =	simm.s32 $0x400;
	s1 =	sand.u32 $0x1, s1;
	s4 =	sshll.u32 s2, $0x1  }
0x8: {  	s22 =	simm.s32 $0x480;
	p0 =	por $0x0, $0x0;
	s4 =	sor.u32 s1, s4  }
0x9: {  	s2 =	simm.s32 $0x0;
	s5 =	sshll.u32 s4, $0xF;
	s4 =	sshll.u32 s4, $0x8  }
0xa: {  	[smem:$0x7FF] =	sst s2;
	s5 =	sadd.s32 s5, s0;
	s0 =	sadd.s32 s0, s4  }
0xb: {  	_ =	strace $0x80000047;
	[dreg:$0x3] =	wrdreg s0;
	s11 =	sadd.s32 $0x2000, s5  }
0xc: {  	s1 =	ssub.s32 $0x2, s1;
	s12 =	sadd.s32 $0x2800, s5;
	[dreg:$0x4] =	wrdreg s11  }
0xd: {  	s18 =	sshrl.u32 s1, $0x1;
	s13 =	sadd.s32 $0x3000, s5;
	[dreg:$0x5] =	wrdreg s12  }
0xe: {  	s1 =	ssub.s32 s1, s18;
	s14 =	sadd.s32 $0x3800, s5;
	[dreg:$0x6] =	wrdreg s13  }
0xf: {  	s18 =	simm.s32 $0x680;
	s15 =	sadd.s32 $0x4000, s5;
	[dreg:$0x7] =	wrdreg s14  }
0x10: {  	s16 =	sadd.s32 $0x4800, s5;
	s17 =	sadd.s32 $0x5000, s5;
	[dreg:$0x8] =	wrdreg s15  }
0x11: {  	s19 =	sadd.s32 $0x5800, s5;
	s20 =	sadd.s32 $0x6000, s5;
	[dreg:$0x9] =	wrdreg s16  }
0x12: {  	s7 =	sadd.s32 $0x9000, s5;
	s21 =	smax.u32 s1, $0x1;
	[dreg:$0xa] =	wrdreg s17  }
0x13: {  	s4 =	sadd.s32 $0x9800, s5;
	[dreg:$0xb] =	wrdreg s19;
	p1 =	sne.s32 s21, $0x1  }
.Ltmp0:
0x14: {  	[dreg:$0xc] =	wrdreg s20;
	s17 =	sadd.s32 $0x6800, s5;
	(pc) =	sbr.rel @!p1 .LBB2_3-.Ltmp0, $4  }
0x15: {  	s15 =	sadd.s32 $0x7000, s5;
	s13 =	sadd.s32 $0x7800, s5;
	s12 =	sadd.s32 $0x8000, s5  }
0x16: {  	s11 =	sadd.s32 $0x8800, s5;
	s5 =	simm.s32 $0x2;
	s1 =	sadd.s32 $0xFFFFFFFF, s21  }
0x17: {  	s21 =	simm.s32 $0x500;
	s20 =	simm.s32 $0x580;
	s19 =	simm.s32 $0x600  }
0x18: {  	s16 =	simm.s32 $0x700;
	s14 =	simm.s32 $0x780;
	s0 =	rddreg [dreg:$0x3]  }
0x19: {  	[tilespmem:s2], [sflag:$0x3] =	stream.linear.gather [hbm4b:s0+s2], $0x800, $0x38;
	[tilespmem:$0x8800] =	vst v63  }
0x1a: {  	_ =	swait.ge [sflag:s31], $0x800  }
0x1b: {  	[sflag:s31] =	ssyncset.done $0x0  }
0x1c: {  	[sflag:s31] =	ssyncadd.s32 $0xFFFFF800  }
0x1d: {  	[tilespmem:s10], [sflag:$0x1] =	stream.indirect.gather [hbm4b:s3+s9], $0x80, s2, s9, $0xb8;
	[tilespmem:$0x8800] =	vst v63  }
0x1e: {  	_ =	swait.ge [sflag:s8], $0x4000  }
0x1f: {  	[sflag:s8] =	ssyncset.done $0x0  }
0x20: {  	s0 =	rddreg [dreg:$0x4];
	[sflag:s8] =	ssyncadd.s32 $0xFFFFC000  }
0x21: {  	[hbm4b:s0+s2] =	stream.linear.scatter [tilespmem:s10], [sflag:$0x2], $0x4000, $0x38;
	[tilespmem:$0x8800] =	vst v63  }
0x22: {  	_ = 	snop  }
0x23: {  	[tilespmem:s6], [sflag:$0x1] =	stream.indirect.gather [hbm4b:s3+s9], $0x80, s9, s9, $0xb8;
	[tilespmem:$0x8800] =	vst v63  }
0x24: {  	_ =	swait.ge [sflag:s8], $0x4000  }
0x25: {  	[sflag:s8] =	ssyncset.done $0x0  }
0x26: {  	[sflag:s8] =	ssyncadd.s32 $0xFFFFC000  }
0x27: {  	_ =	swait.ge [sflag:s5], $0x4000  }
0x28: {  	[sflag:s5] =	ssyncset.done $0x0  }
0x29: {  	s0 =	rddreg [dreg:$0x5];
	[sflag:s5] =	ssyncadd.s32 $0xFFFFC000  }
0x2a: {  	[hbm4b:s0+s2] =	stream.linear.scatter [tilespmem:s6], [sflag:$0x2], $0x4000, $0x38;
	[tilespmem:$0x8800] =	vst v63  }
0x2b: {  	_ = 	snop  }
0x2c: {  	[tilespmem:s10], [sflag:$0x1] =	stream.indirect.gather [hbm4b:s3+s9], $0x80, s30, s9, $0xb8;
	[tilespmem:$0x8800] =	vst v63  }
0x2d: {  	_ =	swait.ge [sflag:s8], $0x4000  }
0x2e: {  	[sflag:s8] =	ssyncset.done $0x0  }
0x2f: {  	[sflag:s8] =	ssyncadd.s32 $0xFFFFC000  }
0x30: {  	_ =	swait.ge [sflag:s5], $0x4000  }
0x31: {  	[sflag:s5] =	ssyncset.done $0x0  }
0x32: {  	s0 =	rddreg [dreg:$0x6];
	[sflag:s5] =	ssyncadd.s32 $0xFFFFC000  }
0x33: {  	[hbm4b:s0+s2] =	stream.linear.scatter [tilespmem:s10], [sflag:$0x2], $0x4000, $0x38;
	[tilespmem:$0x8800] =	vst v63  }
0x34: {  	_ = 	snop  }
0x35: {  	[tilespmem:s6], [sflag:$0x1] =	stream.indirect.gather [hbm4b:s3+s9], $0x80, s29, s9, $0xb8;
	[tilespmem:$0x8800] =	vst v63  }
0x36: {  	_ =	swait.ge [sflag:s8], $0x4000  }
0x37: {  	[sflag:s8] =	ssyncset.done $0x0  }
0x38: {  	[sflag:s8] =	ssyncadd.s32 $0xFFFFC000  }
0x39: {  	_ =	swait.ge [sflag:s5], $0x4000  }
0x3a: {  	[sflag:s5] =	ssyncset.done $0x0  }
0x3b: {  	s0 =	rddreg [dreg:$0x7];
	[sflag:s5] =	ssyncadd.s32 $0xFFFFC000  }
0x3c: {  	[hbm4b:s0+s2] =	stream.linear.scatter [tilespmem:s6], [sflag:$0x2], $0x4000, $0x38;
	[tilespmem:$0x8800] =	vst v63  }
0x3d: {  	_ = 	snop  }
0x3e: {  	[tilespmem:s10], [sflag:$0x1] =	stream.indirect.gather [hbm4b:s3+s9], $0x80, s28, s9, $0xb8;
	[tilespmem:$0x8800] =	vst v63  }
0x3f: {  	_ =	swait.ge [sflag:s8], $0x4000  }
0x40: {  	[sflag:s8] =	ssyncset.done $0x0  }
0x41: {  	[sflag:s8] =	ssyncadd.s32 $0xFFFFC000  }
0x42: {  	_ =	swait.ge [sflag:s5], $0x4000  }
0x43: {  	[sflag:s5] =	ssyncset.done $0x0  }
0x44: {  	s0 =	rddreg [dreg:$0x8];
	[sflag:s5] =	ssyncadd.s32 $0xFFFFC000  }
0x45: {  	[hbm4b:s0+s2] =	stream.linear.scatter [tilespmem:s10], [sflag:$0x2], $0x4000, $0x38;
	[tilespmem:$0x8800] =	vst v63  }
0x46: {  	_ = 	snop  }
0x47: {  	[tilespmem:s6], [sflag:$0x1] =	stream.indirect.gather [hbm4b:s3+s9], $0x80, s26, s9, $0xb8;
	[tilespmem:$0x8800] =	vst v63  }
0x48: {  	_ =	swait.ge [sflag:s8], $0x4000  }
0x49: {  	[sflag:s8] =	ssyncset.done $0x0  }
0x4a: {  	[sflag:s8] =	ssyncadd.s32 $0xFFFFC000  }
0x4b: {  	_ =	swait.ge [sflag:s5], $0x4000  }
0x4c: {  	[sflag:s5] =	ssyncset.done $0x0  }
0x4d: {  	s0 =	rddreg [dreg:$0x9];
	[sflag:s5] =	ssyncadd.s32 $0xFFFFC000  }
0x4e: {  	[hbm4b:s0+s2] =	stream.linear.scatter [tilespmem:s6], [sflag:$0x2], $0x4000, $0x38;
	[tilespmem:$0x8800] =	vst v63  }
0x4f: {  	_ = 	snop  }
0x50: {  	[tilespmem:s10], [sflag:$0x1] =	stream.indirect.gather [hbm4b:s3+s9], $0x80, s25, s9, $0xb8;
	[tilespmem:$0x8800] =	vst v63  }
0x51: {  	_ =	swait.ge [sflag:s8], $0x4000  }
0x52: {  	[sflag:s8] =	ssyncset.done $0x0  }
0x53: {  	[sflag:s8] =	ssyncadd.s32 $0xFFFFC000  }
0x54: {  	_ =	swait.ge [sflag:s5], $0x4000  }
0x55: {  	[sflag:s5] =	ssyncset.done $0x0  }
0x56: {  	s0 =	rddreg [dreg:$0xa];
	[sflag:s5] =	ssyncadd.s32 $0xFFFFC000  }
0x57: {  	[hbm4b:s0+s2] =	stream.linear.scatter [tilespmem:s10], [sflag:$0x2], $0x4000, $0x38;
	[tilespmem:$0x8800] =	vst v63  }
0x58: {  	_ = 	snop  }
0x59: {  	[tilespmem:s6], [sflag:$0x1] =	stream.indirect.gather [hbm4b:s3+s9], $0x80, s24, s9, $0xb8;
	[tilespmem:$0x8800] =	vst v63  }
0x5a: {  	_ =	swait.ge [sflag:s8], $0x4000  }
0x5b: {  	[sflag:s8] =	ssyncset.done $0x0  }
0x5c: {  	[sflag:s8] =	ssyncadd.s32 $0xFFFFC000  }
0x5d: {  	_ =	swait.ge [sflag:s5], $0x4000  }
0x5e: {  	[sflag:s5] =	ssyncset.done $0x0  }
0x5f: {  	s0 =	rddreg [dreg:$0xb];
	[sflag:s5] =	ssyncadd.s32 $0xFFFFC000  }
0x60: {  	[hbm4b:s0+s2] =	stream.linear.scatter [tilespmem:s6], [sflag:$0x2], $0x4000, $0x38;
	[tilespmem:$0x8800] =	vst v63  }
0x61: {  	_ = 	snop  }
0x62: {  	[tilespmem:s10], [sflag:$0x1] =	stream.indirect.gather [hbm4b:s3+s9], $0x80, s23, s9, $0xb8;
	[tilespmem:$0x8800] =	vst v63  }
0x63: {  	_ =	swait.ge [sflag:s8], $0x4000  }
0x64: {  	[sflag:s8] =	ssyncset.done $0x0  }
0x65: {  	[sflag:s8] =	ssyncadd.s32 $0xFFFFC000  }
0x66: {  	_ =	swait.ge [sflag:s5], $0x4000  }
0x67: {  	[sflag:s5] =	ssyncset.done $0x0  }
0x68: {  	s0 =	rddreg [dreg:$0xc];
	[sflag:s5] =	ssyncadd.s32 $0xFFFFC000  }
0x69: {  	[hbm4b:s0+s2] =	stream.linear.scatter [tilespmem:s10], [sflag:$0x2], $0x4000, $0x38;
	[tilespmem:$0x8800] =	vst v63  }
0x6a: {  	_ = 	snop  }
0x6b: {  	[tilespmem:s6], [sflag:$0x1] =	stream.indirect.gather [hbm4b:s3+s9], $0x80, s22, s9, $0xb8;
	[tilespmem:$0x8800] =	vst v63  }
0x6c: {  	_ =	swait.ge [sflag:s8], $0x4000  }
0x6d: {  	[sflag:s8] =	ssyncset.done $0x0  }
0x6e: {  	[sflag:s8] =	ssyncadd.s32 $0xFFFFC000  }
0x6f: {  	_ =	swait.ge [sflag:s5], $0x4000  }
0x70: {  	[sflag:s5] =	ssyncset.done $0x0  }
0x71: {  	[sflag:s5] =	ssyncadd.s32 $0xFFFFC000  }
0x72: {  	[hbm4b:s17+s2] =	stream.linear.scatter [tilespmem:s6], [sflag:$0x2], $0x4000, $0x38;
	[tilespmem:$0x8800] =	vst v63  }
0x73: {  	_ = 	snop  }
0x74: {  	[tilespmem:s10], [sflag:$0x1] =	stream.indirect.gather [hbm4b:s3+s9], $0x80, s21, s9, $0xb8;
	[tilespmem:$0x8800] =	vst v63  }
0x75: {  	_ =	swait.ge [sflag:s8], $0x4000  }
0x76: {  	[sflag:s8] =	ssyncset.done $0x0  }
0x77: {  	[sflag:s8] =	ssyncadd.s32 $0xFFFFC000  }
0x78: {  	_ =	swait.ge [sflag:s5], $0x4000  }
0x79: {  	[sflag:s5] =	ssyncset.done $0x0  }
0x7a: {  	[sflag:s5] =	ssyncadd.s32 $0xFFFFC000  }
0x7b: {  	[hbm4b:s15+s2] =	stream.linear.scatter [tilespmem:s10], [sflag:$0x2], $0x4000, $0x38;
	[tilespmem:$0x8800] =	vst v63  }
0x7c: {  	_ = 	snop  }
0x7d: {  	[tilespmem:s6], [sflag:$0x1] =	stream.indirect.gather [hbm4b:s3+s9], $0x80, s20, s9, $0xb8;
	[tilespmem:$0x8800] =	vst v63  }
0x7e: {  	_ =	swait.ge [sflag:s8], $0x4000  }
0x7f: {  	[sflag:s8] =	ssyncset.done $0x0  }
0x80: {  	[sflag:s8] =	ssyncadd.s32 $0xFFFFC000  }
0x81: {  	_ =	swait.ge [sflag:s5], $0x4000  }
0x82: {  	[sflag:s5] =	ssyncset.done $0x0  }
0x83: {  	[sflag:s5] =	ssyncadd.s32 $0xFFFFC000  }
0x84: {  	[hbm4b:s13+s2] =	stream.linear.scatter [tilespmem:s6], [sflag:$0x2], $0x4000, $0x38;
	[tilespmem:$0x8800] =	vst v63  }
0x85: {  	_ = 	snop  }
0x86: {  	[tilespmem:s10], [sflag:$0x1] =	stream.indirect.gather [hbm4b:s3+s9], $0x80, s19, s9, $0xb8;
	[tilespmem:$0x8800] =	vst v63  }
0x87: {  	_ =	swait.ge [sflag:s8], $0x4000  }
0x88: {  	[sflag:s8] =	ssyncset.done $0x0  }
0x89: {  	[sflag:s8] =	ssyncadd.s32 $0xFFFFC000  }
0x8a: {  	_ =	swait.ge [sflag:s5], $0x4000  }
0x8b: {  	[sflag:s5] =	ssyncset.done $0x0  }
0x8c: {  	[sflag:s5] =	ssyncadd.s32 $0xFFFFC000  }
0x8d: {  	[hbm4b:s12+s2] =	stream.linear.scatter [tilespmem:s10], [sflag:$0x2], $0x4000, $0x38;
	[tilespmem:$0x8800] =	vst v63  }
0x8e: {  	_ = 	snop  }
0x8f: {  	[tilespmem:s6], [sflag:$0x1] =	stream.indirect.gather [hbm4b:s3+s9], $0x80, s18, s9, $0xb8;
	[tilespmem:$0x8800] =	vst v63  }
0x90: {  	_ =	swait.ge [sflag:s8], $0x4000  }
0x91: {  	[sflag:s8] =	ssyncset.done $0x0  }
0x92: {  	[sflag:s8] =	ssyncadd.s32 $0xFFFFC000  }
0x93: {  	_ =	swait.ge [sflag:s5], $0x4000  }
0x94: {  	[sflag:s5] =	ssyncset.done $0x0  }
0x95: {  	[sflag:s5] =	ssyncadd.s32 $0xFFFFC000  }
0x96: {  	[hbm4b:s11+s2] =	stream.linear.scatter [tilespmem:s6], [sflag:$0x2], $0x4000, $0x38;
	[tilespmem:$0x8800] =	vst v63  }
0x97: {  	_ = 	snop  }
0x98: {  	[tilespmem:s10], [sflag:$0x1] =	stream.indirect.gather [hbm4b:s3+s9], $0x80, s16, s9, $0xb8;
	[tilespmem:$0x8800] =	vst v63  }
0x99: {  	_ =	swait.ge [sflag:s8], $0x4000  }
0x9a: {  	[sflag:s8] =	ssyncset.done $0x0  }
0x9b: {  	[sflag:s8] =	ssyncadd.s32 $0xFFFFC000  }
0x9c: {  	_ =	swait.ge [sflag:s5], $0x4000  }
0x9d: {  	[sflag:s5] =	ssyncset.done $0x0  }
0x9e: {  	[sflag:s5] =	ssyncadd.s32 $0xFFFFC000  }
0x9f: {  	[hbm4b:s7+s2] =	stream.linear.scatter [tilespmem:s10], [sflag:$0x2], $0x4000, $0x38;
	[tilespmem:$0x8800] =	vst v63  }
0xa0: {  	_ = 	snop  }
0xa1: {  	[tilespmem:s6], [sflag:$0x1] =	stream.indirect.gather [hbm4b:s3+s9], $0x80, s14, s9, $0xb8;
	[tilespmem:$0x8800] =	vst v63  }
0xa2: {  	_ =	swait.ge [sflag:s8], $0x4000  }
0xa3: {  	[sflag:s8] =	ssyncset.done $0x0  }
0xa4: {  	[sflag:s8] =	ssyncadd.s32 $0xFFFFC000  }
0xa5: {  	p1 =	sne.s32 s1, $0x1;
	_ =	swait.ge [sflag:s5], $0x4000  }
.Ltmp1:
0xa6: {  	[sflag:s5] =	ssyncset.done $0x0;
	(pc) =	sbr.rel @!p1 .LBB2_3-.Ltmp1, $4  }
0xa7: {  	[sflag:s5] =	ssyncadd.s32 $0xFFFFC000  }
0xa8: {  	[hbm4b:s4+s2] =	stream.linear.scatter [tilespmem:s6], [sflag:$0x2], $0x4000, $0x38;
	[tilespmem:$0x8800] =	vst v63  }
0xa9: {  	s1 =	sadd.s32 $0xFFFFFFFF, s1;
	_ =	swait.ge [sflag:s5], $0x4000  }
0xaa: {  	p0 =	por $0x1, $0x1;
	s0 =	rddreg [dreg:$0x3];
	[sflag:s5] =	ssyncset.done $0x0  }
.LBB2_2:
0xab: {  	[sflag:s5] =	ssyncadd.s32 $0xFFFFC000  }
0xac: {  	[tilespmem:s2], [sflag:$0x3] =	stream.linear.gather [hbm4b:s0+s2], $0x800, $0x38;
	[tilespmem:$0x8800] =	vst v63  }
0xad: {  	_ =	swait.ge [sflag:s31], $0x800  }
0xae: {  	[sflag:s31] =	ssyncset.done $0x0  }
0xaf: {  	[sflag:s31] =	ssyncadd.s32 $0xFFFFF800  }
0xb0: {  	[tilespmem:s10], [sflag:$0x1] =	stream.indirect.gather [hbm4b:s3+s9], $0x80, s2, s9, $0xb8;
	[tilespmem:$0x8800] =	vst v63  }
0xb1: {  	_ =	swait.ge [sflag:s8], $0x4000  }
0xb2: {  	[sflag:s8] =	ssyncset.done $0x0  }
0xb3: {  	s0 =	rddreg [dreg:$0x4];
	[sflag:s8] =	ssyncadd.s32 $0xFFFFC000  }
0xb4: {  	[hbm4b:s0+s2] =	stream.linear.scatter [tilespmem:s10], [sflag:$0x2], $0x4000, $0x38;
	[tilespmem:$0x8800] =	vst v63  }
0xb5: {  	_ = 	snop  }
0xb6: {  	[tilespmem:s6], [sflag:$0x1] =	stream.indirect.gather [hbm4b:s3+s9], $0x80, s9, s9, $0xb8;
	[tilespmem:$0x8800] =	vst v63  }
0xb7: {  	_ =	swait.ge [sflag:s8], $0x4000  }
0xb8: {  	[sflag:s8] =	ssyncset.done $0x0  }
0xb9: {  	[sflag:s8] =	ssyncadd.s32 $0xFFFFC000  }
0xba: {  	_ =	swait.ge [sflag:s5], $0x4000  }
0xbb: {  	[sflag:s5] =	ssyncset.done $0x0  }
0xbc: {  	s0 =	rddreg [dreg:$0x5];
	[sflag:s5] =	ssyncadd.s32 $0xFFFFC000  }
0xbd: {  	[hbm4b:s0+s2] =	stream.linear.scatter [tilespmem:s6], [sflag:$0x2], $0x4000, $0x38;
	[tilespmem:$0x8800] =	vst v63  }
0xbe: {  	_ = 	snop  }
0xbf: {  	[tilespmem:s10], [sflag:$0x1] =	stream.indirect.gather [hbm4b:s3+s9], $0x80, s30, s9, $0xb8;
	[tilespmem:$0x8800] =	vst v63  }
0xc0: {  	_ =	swait.ge [sflag:s8], $0x4000  }
0xc1: {  	[sflag:s8] =	ssyncset.done $0x0  }
0xc2: {  	[sflag:s8] =	ssyncadd.s32 $0xFFFFC000  }
0xc3: {  	_ =	swait.ge [sflag:s5], $0x4000  }
0xc4: {  	[sflag:s5] =	ssyncset.done $0x0  }
0xc5: {  	s0 =	rddreg [dreg:$0x6];
	[sflag:s5] =	ssyncadd.s32 $0xFFFFC000  }
0xc6: {  	[hbm4b:s0+s2] =	stream.linear.scatter [tilespmem:s10], [sflag:$0x2], $0x4000, $0x38;
	[tilespmem:$0x8800] =	vst v63  }
0xc7: {  	_ = 	snop  }
0xc8: {  	[tilespmem:s6], [sflag:$0x1] =	stream.indirect.gather [hbm4b:s3+s9], $0x80, s29, s9, $0xb8;
	[tilespmem:$0x8800] =	vst v63  }
0xc9: {  	_ =	swait.ge [sflag:s8], $0x4000  }
0xca: {  	[sflag:s8] =	ssyncset.done $0x0  }
0xcb: {  	[sflag:s8] =	ssyncadd.s32 $0xFFFFC000  }
0xcc: {  	_ =	swait.ge [sflag:s5], $0x4000  }
0xcd: {  	[sflag:s5] =	ssyncset.done $0x0  }
0xce: {  	s0 =	rddreg [dreg:$0x7];
	[sflag:s5] =	ssyncadd.s32 $0xFFFFC000  }
0xcf: {  	[hbm4b:s0+s2] =	stream.linear.scatter [tilespmem:s6], [sflag:$0x2], $0x4000, $0x38;
	[tilespmem:$0x8800] =	vst v63  }
0xd0: {  	_ = 	snop  }
0xd1: {  	[tilespmem:s10], [sflag:$0x1] =	stream.indirect.gather [hbm4b:s3+s9], $0x80, s28, s9, $0xb8;
	[tilespmem:$0x8800] =	vst v63  }
0xd2: {  	_ =	swait.ge [sflag:s8], $0x4000  }
0xd3: {  	[sflag:s8] =	ssyncset.done $0x0  }
0xd4: {  	[sflag:s8] =	ssyncadd.s32 $0xFFFFC000  }
0xd5: {  	_ =	swait.ge [sflag:s5], $0x4000  }
0xd6: {  	[sflag:s5] =	ssyncset.done $0x0  }
0xd7: {  	s0 =	rddreg [dreg:$0x8];
	[sflag:s5] =	ssyncadd.s32 $0xFFFFC000  }
0xd8: {  	[hbm4b:s0+s2] =	stream.linear.scatter [tilespmem:s10], [sflag:$0x2], $0x4000, $0x38;
	[tilespmem:$0x8800] =	vst v63  }
0xd9: {  	_ = 	snop  }
0xda: {  	[tilespmem:s6], [sflag:$0x1] =	stream.indirect.gather [hbm4b:s3+s9], $0x80, s26, s9, $0xb8;
	[tilespmem:$0x8800] =	vst v63  }
0xdb: {  	_ =	swait.ge [sflag:s8], $0x4000  }
0xdc: {  	[sflag:s8] =	ssyncset.done $0x0  }
0xdd: {  	[sflag:s8] =	ssyncadd.s32 $0xFFFFC000  }
0xde: {  	_ =	swait.ge [sflag:s5], $0x4000  }
0xdf: {  	[sflag:s5] =	ssyncset.done $0x0  }
0xe0: {  	s0 =	rddreg [dreg:$0x9];
	[sflag:s5] =	ssyncadd.s32 $0xFFFFC000  }
0xe1: {  	[hbm4b:s0+s2] =	stream.linear.scatter [tilespmem:s6], [sflag:$0x2], $0x4000, $0x38;
	[tilespmem:$0x8800] =	vst v63  }
0xe2: {  	_ = 	snop  }
0xe3: {  	[tilespmem:s10], [sflag:$0x1] =	stream.indirect.gather [hbm4b:s3+s9], $0x80, s25, s9, $0xb8;
	[tilespmem:$0x8800] =	vst v63  }
0xe4: {  	_ =	swait.ge [sflag:s8], $0x4000  }
0xe5: {  	[sflag:s8] =	ssyncset.done $0x0  }
0xe6: {  	[sflag:s8] =	ssyncadd.s32 $0xFFFFC000  }
0xe7: {  	_ =	swait.ge [sflag:s5], $0x4000  }
0xe8: {  	[sflag:s5] =	ssyncset.done $0x0  }
0xe9: {  	s0 =	rddreg [dreg:$0xa];
	[sflag:s5] =	ssyncadd.s32 $0xFFFFC000  }
0xea: {  	[hbm4b:s0+s2] =	stream.linear.scatter [tilespmem:s10], [sflag:$0x2], $0x4000, $0x38;
	[tilespmem:$0x8800] =	vst v63  }
0xeb: {  	_ = 	snop  }
0xec: {  	[tilespmem:s6], [sflag:$0x1] =	stream.indirect.gather [hbm4b:s3+s9], $0x80, s24, s9, $0xb8;
	[tilespmem:$0x8800] =	vst v63  }
0xed: {  	_ =	swait.ge [sflag:s8], $0x4000  }
0xee: {  	[sflag:s8] =	ssyncset.done $0x0  }
0xef: {  	[sflag:s8] =	ssyncadd.s32 $0xFFFFC000  }
0xf0: {  	_ =	swait.ge [sflag:s5], $0x4000  }
0xf1: {  	[sflag:s5] =	ssyncset.done $0x0  }
0xf2: {  	s0 =	rddreg [dreg:$0xb];
	[sflag:s5] =	ssyncadd.s32 $0xFFFFC000  }
0xf3: {  	[hbm4b:s0+s2] =	stream.linear.scatter [tilespmem:s6], [sflag:$0x2], $0x4000, $0x38;
	[tilespmem:$0x8800] =	vst v63  }
0xf4: {  	_ = 	snop  }
0xf5: {  	[tilespmem:s10], [sflag:$0x1] =	stream.indirect.gather [hbm4b:s3+s9], $0x80, s23, s9, $0xb8;
	[tilespmem:$0x8800] =	vst v63  }
0xf6: {  	_ =	swait.ge [sflag:s8], $0x4000  }
0xf7: {  	[sflag:s8] =	ssyncset.done $0x0  }
0xf8: {  	[sflag:s8] =	ssyncadd.s32 $0xFFFFC000  }
0xf9: {  	_ =	swait.ge [sflag:s5], $0x4000  }
0xfa: {  	[sflag:s5] =	ssyncset.done $0x0  }
0xfb: {  	s0 =	rddreg [dreg:$0xc];
	[sflag:s5] =	ssyncadd.s32 $0xFFFFC000  }
0xfc: {  	[hbm4b:s0+s2] =	stream.linear.scatter [tilespmem:s10], [sflag:$0x2], $0x4000, $0x38;
	[tilespmem:$0x8800] =	vst v63  }
0xfd: {  	_ = 	snop  }
0xfe: {  	[tilespmem:s6], [sflag:$0x1] =	stream.indirect.gather [hbm4b:s3+s9], $0x80, s22, s9, $0xb8;
	[tilespmem:$0x8800] =	vst v63  }
0xff: {  	_ =	swait.ge [sflag:s8], $0x4000  }
0x100: {  	[sflag:s8] =	ssyncset.done $0x0  }
0x101: {  	[sflag:s8] =	ssyncadd.s32 $0xFFFFC000  }
0x102: {  	_ =	swait.ge [sflag:s5], $0x4000  }
0x103: {  	[sflag:s5] =	ssyncset.done $0x0  }
0x104: {  	[sflag:s5] =	ssyncadd.s32 $0xFFFFC000  }
0x105: {  	[hbm4b:s17+s2] =	stream.linear.scatter [tilespmem:s6], [sflag:$0x2], $0x4000, $0x38;
	[tilespmem:$0x8800] =	vst v63  }
0x106: {  	_ = 	snop  }
0x107: {  	[tilespmem:s10], [sflag:$0x1] =	stream.indirect.gather [hbm4b:s3+s9], $0x80, s21, s9, $0xb8;
	[tilespmem:$0x8800] =	vst v63  }
0x108: {  	_ =	swait.ge [sflag:s8], $0x4000  }
0x109: {  	[sflag:s8] =	ssyncset.done $0x0  }
0x10a: {  	[sflag:s8] =	ssyncadd.s32 $0xFFFFC000  }
0x10b: {  	_ =	swait.ge [sflag:s5], $0x4000  }
0x10c: {  	[sflag:s5] =	ssyncset.done $0x0  }
0x10d: {  	[sflag:s5] =	ssyncadd.s32 $0xFFFFC000  }
0x10e: {  	[hbm4b:s15+s2] =	stream.linear.scatter [tilespmem:s10], [sflag:$0x2], $0x4000, $0x38;
	[tilespmem:$0x8800] =	vst v63  }
0x10f: {  	_ = 	snop  }
0x110: {  	[tilespmem:s6], [sflag:$0x1] =	stream.indirect.gather [hbm4b:s3+s9], $0x80, s20, s9, $0xb8;
	[tilespmem:$0x8800] =	vst v63  }
0x111: {  	_ =	swait.ge [sflag:s8], $0x4000  }
0x112: {  	[sflag:s8] =	ssyncset.done $0x0  }
0x113: {  	[sflag:s8] =	ssyncadd.s32 $0xFFFFC000  }
0x114: {  	_ =	swait.ge [sflag:s5], $0x4000  }
0x115: {  	[sflag:s5] =	ssyncset.done $0x0  }
0x116: {  	[sflag:s5] =	ssyncadd.s32 $0xFFFFC000  }
0x117: {  	[hbm4b:s13+s2] =	stream.linear.scatter [tilespmem:s6], [sflag:$0x2], $0x4000, $0x38;
	[tilespmem:$0x8800] =	vst v63  }
0x118: {  	_ = 	snop  }
0x119: {  	[tilespmem:s10], [sflag:$0x1] =	stream.indirect.gather [hbm4b:s3+s9], $0x80, s19, s9, $0xb8;
	[tilespmem:$0x8800] =	vst v63  }
0x11a: {  	_ =	swait.ge [sflag:s8], $0x4000  }
0x11b: {  	[sflag:s8] =	ssyncset.done $0x0  }
0x11c: {  	[sflag:s8] =	ssyncadd.s32 $0xFFFFC000  }
0x11d: {  	_ =	swait.ge [sflag:s5], $0x4000  }
0x11e: {  	[sflag:s5] =	ssyncset.done $0x0  }
0x11f: {  	[sflag:s5] =	ssyncadd.s32 $0xFFFFC000  }
0x120: {  	[hbm4b:s12+s2] =	stream.linear.scatter [tilespmem:s10], [sflag:$0x2], $0x4000, $0x38;
	[tilespmem:$0x8800] =	vst v63  }
0x121: {  	_ = 	snop  }
0x122: {  	[tilespmem:s6], [sflag:$0x1] =	stream.indirect.gather [hbm4b:s3+s9], $0x80, s18, s9, $0xb8;
	[tilespmem:$0x8800] =	vst v63  }
0x123: {  	_ =	swait.ge [sflag:s8], $0x4000  }
0x124: {  	[sflag:s8] =	ssyncset.done $0x0  }
0x125: {  	[sflag:s8] =	ssyncadd.s32 $0xFFFFC000  }
0x126: {  	_ =	swait.ge [sflag:s5], $0x4000  }
0x127: {  	[sflag:s5] =	ssyncset.done $0x0  }
0x128: {  	[sflag:s5] =	ssyncadd.s32 $0xFFFFC000  }
0x129: {  	[hbm4b:s11+s2] =	stream.linear.scatter [tilespmem:s6], [sflag:$0x2], $0x4000, $0x38;
	[tilespmem:$0x8800] =	vst v63  }
0x12a: {  	_ = 	snop  }
0x12b: {  	[tilespmem:s10], [sflag:$0x1] =	stream.indirect.gather [hbm4b:s3+s9], $0x80, s16, s9, $0xb8;
	[tilespmem:$0x8800] =	vst v63  }
0x12c: {  	_ =	swait.ge [sflag:s8], $0x4000  }
0x12d: {  	[sflag:s8] =	ssyncset.done $0x0  }
0x12e: {  	[sflag:s8] =	ssyncadd.s32 $0xFFFFC000  }
0x12f: {  	_ =	swait.ge [sflag:s5], $0x4000  }
0x130: {  	[sflag:s5] =	ssyncset.done $0x0  }
0x131: {  	[sflag:s5] =	ssyncadd.s32 $0xFFFFC000  }
0x132: {  	[hbm4b:s7+s2] =	stream.linear.scatter [tilespmem:s10], [sflag:$0x2], $0x4000, $0x38;
	[tilespmem:$0x8800] =	vst v63  }
0x133: {  	_ = 	snop  }
0x134: {  	[tilespmem:s6], [sflag:$0x1] =	stream.indirect.gather [hbm4b:s3+s9], $0x80, s14, s9, $0xb8;
	[tilespmem:$0x8800] =	vst v63  }
0x135: {  	_ =	swait.ge [sflag:s8], $0x4000  }
0x136: {  	[sflag:s8] =	ssyncset.done $0x0  }
0x137: {  	[sflag:s8] =	ssyncadd.s32 $0xFFFFC000  }
0x138: {  	p1 =	sne.s32 s1, $0x1;
	_ =	swait.ge [sflag:s5], $0x4000  }
.Ltmp2:
0x139: {  	[sflag:s5] =	ssyncset.done $0x0;
	(pc) =	sbr.rel @p1 .LBB2_2-.Ltmp2, $4  }
0x13a: {  	[sflag:s5] =	ssyncadd.s32 $0xFFFFC000  }
0x13b: {  	[hbm4b:s4+s2] =	stream.linear.scatter [tilespmem:s6], [sflag:$0x2], $0x4000, $0x38;
	[tilespmem:$0x8800] =	vst v63  }
0x13c: {  	_ =	swait.ge [sflag:s5], $0x4000  }
0x13d: {  	s1 =	sadd.s32 $0xFFFFFFFF, s1;
	s0 =	rddreg [dreg:$0x3];
	[sflag:s5] =	ssyncset.done $0x0  }
.LBB2_3:
0x13e: {  	[sflag:s5] =	ssyncadd.s32 @p0 $0xFFFFC000  }
0x13f: {  	[tilespmem:s2], [sflag:$0x3] =	stream.linear.gather [hbm4b:s0+s2], $0x800, $0x38;
	[tilespmem:$0x8800] =	vst v63  }
0x140: {  	_ =	swait.ge [sflag:s31], $0x800  }
0x141: {  	[sflag:s31] =	ssyncset.done $0x0  }
0x142: {  	[sflag:s31] =	ssyncadd.s32 $0xFFFFF800  }
0x143: {  	[tilespmem:s10], [sflag:$0x1] =	stream.indirect.gather [hbm4b:s3+s9], $0x80, s2, s9, $0xb8;
	[tilespmem:$0x8800] =	vst v63  }
0x144: {  	_ =	swait.ge [sflag:s8], $0x4000  }
0x145: {  	[sflag:s8] =	ssyncset.done $0x0  }
0x146: {  	s31 =	rddreg [dreg:$0x4];
	[sflag:s8] =	ssyncadd.s32 $0xFFFFC000  }
0x147: {  	[hbm4b:s31+s2] =	stream.linear.scatter [tilespmem:s10], [sflag:$0x2], $0x4000, $0x38;
	[tilespmem:$0x8800] =	vst v63  }
0x148: {  	_ = 	snop  }
0x149: {  	[tilespmem:s6], [sflag:$0x1] =	stream.indirect.gather [hbm4b:s3+s9], $0x80, s9, s9, $0xb8;
	[tilespmem:$0x8800] =	vst v63  }
0x14a: {  	_ =	swait.ge [sflag:s8], $0x4000  }
0x14b: {  	[sflag:s8] =	ssyncset.done $0x0  }
0x14c: {  	[sflag:s8] =	ssyncadd.s32 $0xFFFFC000  }
0x14d: {  	_ =	swait.ge [sflag:s5], $0x4000  }
0x14e: {  	[sflag:s5] =	ssyncset.done $0x0  }
0x14f: {  	s1 =	rddreg [dreg:$0x5];
	[sflag:s5] =	ssyncadd.s32 $0xFFFFC000  }
0x150: {  	[hbm4b:s1+s2] =	stream.linear.scatter [tilespmem:s6], [sflag:$0x2], $0x4000, $0x38;
	[tilespmem:$0x8800] =	vst v63  }
0x151: {  	_ = 	snop  }
0x152: {  	[tilespmem:s10], [sflag:$0x1] =	stream.indirect.gather [hbm4b:s3+s9], $0x80, s30, s9, $0xb8;
	[tilespmem:$0x8800] =	vst v63  }
0x153: {  	_ =	swait.ge [sflag:s8], $0x4000  }
0x154: {  	[sflag:s8] =	ssyncset.done $0x0  }
0x155: {  	[sflag:s8] =	ssyncadd.s32 $0xFFFFC000  }
0x156: {  	_ =	swait.ge [sflag:s5], $0x4000  }
0x157: {  	[sflag:s5] =	ssyncset.done $0x0  }
0x158: {  	s30 =	rddreg [dreg:$0x6];
	[sflag:s5] =	ssyncadd.s32 $0xFFFFC000  }
0x159: {  	[hbm4b:s30+s2] =	stream.linear.scatter [tilespmem:s10], [sflag:$0x2], $0x4000, $0x38;
	[tilespmem:$0x8800] =	vst v63  }
0x15a: {  	_ = 	snop  }
0x15b: {  	[tilespmem:s6], [sflag:$0x1] =	stream.indirect.gather [hbm4b:s3+s9], $0x80, s29, s9, $0xb8;
	[tilespmem:$0x8800] =	vst v63  }
0x15c: {  	_ =	swait.ge [sflag:s8], $0x4000  }
0x15d: {  	[sflag:s8] =	ssyncset.done $0x0  }
0x15e: {  	[sflag:s8] =	ssyncadd.s32 $0xFFFFC000  }
0x15f: {  	_ =	swait.ge [sflag:s5], $0x4000  }
0x160: {  	[sflag:s5] =	ssyncset.done $0x0  }
0x161: {  	s31 =	rddreg [dreg:$0x7];
	[sflag:s5] =	ssyncadd.s32 $0xFFFFC000  }
0x162: {  	[hbm4b:s31+s2] =	stream.linear.scatter [tilespmem:s6], [sflag:$0x2], $0x4000, $0x38;
	[tilespmem:$0x8800] =	vst v63  }
0x163: {  	_ = 	snop  }
0x164: {  	[tilespmem:s10], [sflag:$0x1] =	stream.indirect.gather [hbm4b:s3+s9], $0x80, s28, s9, $0xb8;
	[tilespmem:$0x8800] =	vst v63  }
0x165: {  	_ =	swait.ge [sflag:s8], $0x4000  }
0x166: {  	[sflag:s8] =	ssyncset.done $0x0  }
0x167: {  	[sflag:s8] =	ssyncadd.s32 $0xFFFFC000  }
0x168: {  	_ =	swait.ge [sflag:s5], $0x4000  }
0x169: {  	[sflag:s5] =	ssyncset.done $0x0  }
0x16a: {  	s1 =	rddreg [dreg:$0x8];
	[sflag:s5] =	ssyncadd.s32 $0xFFFFC000  }
0x16b: {  	[hbm4b:s1+s2] =	stream.linear.scatter [tilespmem:s10], [sflag:$0x2], $0x4000, $0x38;
	[tilespmem:$0x8800] =	vst v63  }
0x16c: {  	_ = 	snop  }
0x16d: {  	[tilespmem:s6], [sflag:$0x1] =	stream.indirect.gather [hbm4b:s3+s9], $0x80, s26, s9, $0xb8;
	[tilespmem:$0x8800] =	vst v63  }
0x16e: {  	_ =	swait.ge [sflag:s8], $0x4000  }
0x16f: {  	[sflag:s8] =	ssyncset.done $0x0  }
0x170: {  	[sflag:s8] =	ssyncadd.s32 $0xFFFFC000  }
0x171: {  	_ =	swait.ge [sflag:s5], $0x4000  }
0x172: {  	[sflag:s5] =	ssyncset.done $0x0  }
0x173: {  	s26 =	rddreg [dreg:$0x9];
	[sflag:s5] =	ssyncadd.s32 $0xFFFFC000  }
0x174: {  	[hbm4b:s26+s2] =	stream.linear.scatter [tilespmem:s6], [sflag:$0x2], $0x4000, $0x38;
	[tilespmem:$0x8800] =	vst v63  }
0x175: {  	_ = 	snop  }
0x176: {  	[tilespmem:s10], [sflag:$0x1] =	stream.indirect.gather [hbm4b:s3+s9], $0x80, s25, s9, $0xb8;
	[tilespmem:$0x8800] =	vst v63  }
0x177: {  	_ =	swait.ge [sflag:s8], $0x4000  }
0x178: {  	[sflag:s8] =	ssyncset.done $0x0  }
0x179: {  	[sflag:s8] =	ssyncadd.s32 $0xFFFFC000  }
0x17a: {  	_ =	swait.ge [sflag:s5], $0x4000  }
0x17b: {  	[sflag:s5] =	ssyncset.done $0x0  }
0x17c: {  	s28 =	rddreg [dreg:$0xa];
	[sflag:s5] =	ssyncadd.s32 $0xFFFFC000  }
0x17d: {  	[hbm4b:s28+s2] =	stream.linear.scatter [tilespmem:s10], [sflag:$0x2], $0x4000, $0x38;
	[tilespmem:$0x8800] =	vst v63  }
0x17e: {  	_ = 	snop  }
0x17f: {  	[tilespmem:s6], [sflag:$0x1] =	stream.indirect.gather [hbm4b:s3+s9], $0x80, s24, s9, $0xb8;
	[tilespmem:$0x8800] =	vst v63  }
0x180: {  	_ =	swait.ge [sflag:s8], $0x4000  }
0x181: {  	[sflag:s8] =	ssyncset.done $0x0  }
0x182: {  	[sflag:s8] =	ssyncadd.s32 $0xFFFFC000  }
0x183: {  	_ =	swait.ge [sflag:s5], $0x4000  }
0x184: {  	[sflag:s5] =	ssyncset.done $0x0  }
0x185: {  	s29 =	rddreg [dreg:$0xb];
	[sflag:s5] =	ssyncadd.s32 $0xFFFFC000  }
0x186: {  	[hbm4b:s29+s2] =	stream.linear.scatter [tilespmem:s6], [sflag:$0x2], $0x4000, $0x38;
	[tilespmem:$0x8800] =	vst v63  }
0x187: {  	_ = 	snop  }
0x188: {  	[tilespmem:s10], [sflag:$0x1] =	stream.indirect.gather [hbm4b:s3+s9], $0x80, s23, s9, $0xb8;
	[tilespmem:$0x8800] =	vst v63  }
0x189: {  	_ =	swait.ge [sflag:s8], $0x4000  }
0x18a: {  	[sflag:s8] =	ssyncset.done $0x0  }
0x18b: {  	[sflag:s8] =	ssyncadd.s32 $0xFFFFC000  }
0x18c: {  	_ =	swait.ge [sflag:s5], $0x4000  }
0x18d: {  	[sflag:s5] =	ssyncset.done $0x0  }
0x18e: {  	s30 =	rddreg [dreg:$0xc];
	[sflag:s5] =	ssyncadd.s32 $0xFFFFC000  }
0x18f: {  	[hbm4b:s30+s2] =	stream.linear.scatter [tilespmem:s10], [sflag:$0x2], $0x4000, $0x38;
	[tilespmem:$0x8800] =	vst v63  }
0x190: {  	_ = 	snop  }
0x191: {  	[tilespmem:s6], [sflag:$0x1] =	stream.indirect.gather [hbm4b:s3+s9], $0x80, s22, s9, $0xb8;
	[tilespmem:$0x8800] =	vst v63  }
0x192: {  	_ =	swait.ge [sflag:s8], $0x4000  }
0x193: {  	[sflag:s8] =	ssyncset.done $0x0  }
0x194: {  	[sflag:s8] =	ssyncadd.s32 $0xFFFFC000  }
0x195: {  	_ =	swait.ge [sflag:s5], $0x4000  }
0x196: {  	[sflag:s5] =	ssyncset.done $0x0  }
0x197: {  	[sflag:s5] =	ssyncadd.s32 $0xFFFFC000  }
0x198: {  	[hbm4b:s17+s2] =	stream.linear.scatter [tilespmem:s6], [sflag:$0x2], $0x4000, $0x38;
	[tilespmem:$0x8800] =	vst v63  }
0x199: {  	_ = 	snop  }
0x19a: {  	[tilespmem:s10], [sflag:$0x1] =	stream.indirect.gather [hbm4b:s3+s9], $0x80, s21, s9, $0xb8;
	[tilespmem:$0x8800] =	vst v63  }
0x19b: {  	_ =	swait.ge [sflag:s8], $0x4000  }
0x19c: {  	[sflag:s8] =	ssyncset.done $0x0  }
0x19d: {  	[sflag:s8] =	ssyncadd.s32 $0xFFFFC000  }
0x19e: {  	_ =	swait.ge [sflag:s5], $0x4000  }
0x19f: {  	[sflag:s5] =	ssyncset.done $0x0  }
0x1a0: {  	[sflag:s5] =	ssyncadd.s32 $0xFFFFC000  }
0x1a1: {  	[hbm4b:s15+s2] =	stream.linear.scatter [tilespmem:s10], [sflag:$0x2], $0x4000, $0x38;
	[tilespmem:$0x8800] =	vst v63  }
0x1a2: {  	_ = 	snop  }
0x1a3: {  	[tilespmem:s6], [sflag:$0x1] =	stream.indirect.gather [hbm4b:s3+s9], $0x80, s20, s9, $0xb8;
	[tilespmem:$0x8800] =	vst v63  }
0x1a4: {  	_ =	swait.ge [sflag:s8], $0x4000  }
0x1a5: {  	[sflag:s8] =	ssyncset.done $0x0  }
0x1a6: {  	[sflag:s8] =	ssyncadd.s32 $0xFFFFC000  }
0x1a7: {  	_ =	swait.ge [sflag:s5], $0x4000  }
0x1a8: {  	[sflag:s5] =	ssyncset.done $0x0  }
0x1a9: {  	[sflag:s5] =	ssyncadd.s32 $0xFFFFC000  }
0x1aa: {  	[hbm4b:s13+s2] =	stream.linear.scatter [tilespmem:s6], [sflag:$0x2], $0x4000, $0x38;
	[tilespmem:$0x8800] =	vst v63  }
0x1ab: {  	_ = 	snop  }
0x1ac: {  	[tilespmem:s10], [sflag:$0x1] =	stream.indirect.gather [hbm4b:s3+s9], $0x80, s19, s9, $0xb8;
	[tilespmem:$0x8800] =	vst v63  }
0x1ad: {  	_ =	swait.ge [sflag:s8], $0x4000  }
0x1ae: {  	[sflag:s8] =	ssyncset.done $0x0  }
0x1af: {  	[sflag:s8] =	ssyncadd.s32 $0xFFFFC000  }
0x1b0: {  	_ =	swait.ge [sflag:s5], $0x4000  }
0x1b1: {  	[sflag:s5] =	ssyncset.done $0x0  }
0x1b2: {  	[sflag:s5] =	ssyncadd.s32 $0xFFFFC000  }
0x1b3: {  	[hbm4b:s12+s2] =	stream.linear.scatter [tilespmem:s10], [sflag:$0x2], $0x4000, $0x38;
	[tilespmem:$0x8800] =	vst v63  }
0x1b4: {  	_ = 	snop  }
0x1b5: {  	[tilespmem:s6], [sflag:$0x1] =	stream.indirect.gather [hbm4b:s3+s9], $0x80, s18, s9, $0xb8;
	[tilespmem:$0x8800] =	vst v63  }
0x1b6: {  	_ =	swait.ge [sflag:s8], $0x4000  }
0x1b7: {  	[sflag:s8] =	ssyncset.done $0x0  }
0x1b8: {  	[sflag:s8] =	ssyncadd.s32 $0xFFFFC000  }
0x1b9: {  	_ =	swait.ge [sflag:s5], $0x4000  }
0x1ba: {  	[sflag:s5] =	ssyncset.done $0x0  }
0x1bb: {  	[sflag:s5] =	ssyncadd.s32 $0xFFFFC000  }
0x1bc: {  	[hbm4b:s11+s2] =	stream.linear.scatter [tilespmem:s6], [sflag:$0x2], $0x4000, $0x38;
	[tilespmem:$0x8800] =	vst v63  }
0x1bd: {  	_ = 	snop  }
0x1be: {  	[tilespmem:s10], [sflag:$0x1] =	stream.indirect.gather [hbm4b:s3+s9], $0x80, s16, s9, $0xb8;
	[tilespmem:$0x8800] =	vst v63  }
0x1bf: {  	_ =	swait.ge [sflag:s8], $0x4000  }
0x1c0: {  	[sflag:s8] =	ssyncset.done $0x0  }
0x1c1: {  	[sflag:s8] =	ssyncadd.s32 $0xFFFFC000  }
0x1c2: {  	_ =	swait.ge [sflag:s5], $0x4000  }
0x1c3: {  	[sflag:s5] =	ssyncset.done $0x0  }
0x1c4: {  	[sflag:s5] =	ssyncadd.s32 $0xFFFFC000  }
0x1c5: {  	[hbm4b:s7+s2] =	stream.linear.scatter [tilespmem:s10], [sflag:$0x2], $0x4000, $0x38;
	[tilespmem:$0x8800] =	vst v63  }
0x1c6: {  	_ = 	snop  }
0x1c7: {  	[tilespmem:s6], [sflag:$0x1] =	stream.indirect.gather [hbm4b:s3+s9], $0x80, s14, s9, $0xb8;
	[tilespmem:$0x8800] =	vst v63  }
0x1c8: {  	_ =	swait.ge [sflag:s8], $0x4000  }
0x1c9: {  	[sflag:s8] =	ssyncset.done $0x0  }
0x1ca: {  	[sflag:s8] =	ssyncadd.s32 $0xFFFFC000  }
0x1cb: {  	_ =	swait.ge [sflag:s5], $0x4000  }
0x1cc: {  	[sflag:s5] =	ssyncset.done $0x0  }
0x1cd: {  	[sflag:s5] =	ssyncadd.s32 $0xFFFFC000  }
0x1ce: {  	[hbm4b:s4+s2] =	stream.linear.scatter [tilespmem:s6], [sflag:$0x2], $0x4000, $0x38;
	[tilespmem:$0x8800] =	vst v63  }
0x1cf: {  	_ =	swait.ge [sflag:s5], $0x4000  }
0x1d0: {  	[sflag:s5] =	ssyncset.done $0x0  }
0x1d1: {  	[sflag:s5] =	ssyncadd.s32 $0xFFFFC000  }
0x1d2: {  	_ =	sfence.sel $0x180000  }
0x1d3: {  	[bflag:$0x0] =	sbarrier.arrive $0xFFFF  }
0x1d4: {  	_ =	strace $0x90000047  }
0x1d5: {  	s31 =	stileid.u32;
	[bflag:$0x2] =	sbarrier.arrive $0xFFFF  }
0x1d6: {  	p0 =	sne.s32 s31, $0x0;
	s0 =	rddreg [dreg:$0x2]  }
0x1d7: {  	s0 =	sadd.s32 @!p0 $0x100000, s0  }
0x1d8: {  	[sflag:s0] =	ssyncadd.tile.s32 @!p0 $0x1;
	_ =	shalt  }
.Lfunc_end2:
_tile_overlayer_lowered:
.L_overlay_start_2:
0x1d9: {  	(tag) =	ssettag $0x2  }
0x1da: {  	s0 =	rddreg [dreg:$0x0];
	s2 =	stileid.u32  }
0x1db: {  	s1 =	rddreg [dreg:$0x1];
	p0 =	sne.s32 s2, $0x0  }
0x1dc: {  	s3 =	rddreg [dreg:$0x2];
	[bflag:$0x3] =	sbarrier.arrive $0xFFFF;
	s2 =	simm.s32 @!p0 $0x1C03  }
0x1dd: {  	[timem:s3], [sflag:s2] =	dma.local @!p0 [hbm:s0], s1  }
0x1de: {  	s0 =	simm.s32 @!p0 $0x3  }
0x1df: {  	_ =	swait.ge @!p0 [sflag:s0], s1  }
0x1e0: {  	s1 =	ssub.s32 @!p0 $0x0, s1;
	[sflag:s0] =	ssyncset.done @!p0 $0x0  }
0x1e1: {  	[sflag:s0] =	ssyncadd.s32 @!p0 s1  }
0x1e2: {  	[bflag:$0x3] =	sbarrier.arrive $0xFFFF  }
0x1e3: {  	_ =	shalt  }

</sc_bundles>
